<compile_context>
chip_gen: v7x
topology: tpu7x:2x2x1
jax: 0.10.2.dev20260603
libtpu: 0.0.44.dev20260713+nightly
codegen_flags: <defaults>
</compile_context>

<pallas_src>
import functools

import jax
import jax.numpy as jnp
from jax import lax
from jax.experimental import pallas as pl
from jax.experimental.pallas import tpu as pltpu
from jax.experimental.pallas import tpu_sc as plsc

B, L, D = 4, 4096, 1024
NC, NS = 2, 16
NW = NC * NS

L_SC = 512
L_TC = L - L_SC


RPW = L_SC // NW
CH = 16
CHE = CH * D
NCH = RPW // CH
NSTEP = NCH * B
NX = 3
AHEAD = 2
NP = 2
LANES = 16
UNROLL = 8


def _sc_body(x_hbm, pos_hbm, out_hbm, *refs):
    xbufs = list(refs[:NX])
    pbufs = list(refs[NX:NX + NP])
    sem_l = list(refs[NX + NP:2 * NX + NP])
    sem_s = list(refs[2 * NX + NP:3 * NX + NP])
    sem_p = list(refs[3 * NX + NP:])

    wid = lax.axis_index("s") * NC + lax.axis_index("c")
    pel0 = (L_TC + wid * RPW) * D
    oel0 = wid * (RPW * D)

    def xload(k):
        c, b = k // B, k % B
        off = b * (L * D) + pel0 + c * CHE
        return pltpu.make_async_copy(
            x_hbm.at[pl.ds(off, CHE)], xbufs[k % NX], sem_l[k % NX])

    def xstore(k):
        c, b = k // B, k % B
        off = b * (L_SC * D) + oel0 + c * CHE
        return pltpu.make_async_copy(
            xbufs[k % NX], out_hbm.at[pl.ds(off, CHE)], sem_s[k % NX])

    def pload(c):
        return pltpu.make_async_copy(
            pos_hbm.at[pl.ds(pel0 + c * CHE, CHE)], pbufs[c % NP], sem_p[c % NP])

    pload(0).start()
    if NCH > 1:
        pload(1).start()
    for t in range(NSTEP + AHEAD):
        if t < NSTEP:
            if t >= NX:
                xstore(t - NX).wait()
            xload(t).start()
        k = t - AHEAD
        if 0 <= k < NSTEP:
            c, b = k // B, k % B
            xload(k).wait()
            if b == 0:
                pload(c).wait()
            xb = xbufs[k % NX]
            pb = pbufs[c % NP]

            def add_body(i, _):
                base = i * (LANES * UNROLL)
                for u in range(UNROLL):
                    sl = pl.ds(base + u * LANES, LANES)
                    xb[sl] = xb[sl] + pb[sl]
                return 0

            lax.fori_loop(0, CHE // (LANES * UNROLL), add_body, 0)
            xstore(k).start()
            if b == B - 1 and c + 2 < NCH:
                pload(c + 2).start()
    for k in range(max(0, NSTEP - NX), NSTEP):
        xstore(k).wait()


_sc_tail = functools.partial(
    pl.kernel,
    mesh=plsc.VectorSubcoreMesh(core_axis_name="c", subcore_axis_name="s"),
    out_type=jax.ShapeDtypeStruct((B * L_SC * D,), jnp.float32),
    scratch_types=(
        [pltpu.VMEM((CHE,), jnp.float32) for _ in range(NX + NP)]
        + [pltpu.SemaphoreType.DMA] * (2 * NX + NP)
    ),
)(_sc_body)



LB = 512


def _tc_add(x_ref, pos_ref, out_ref):
    out_ref[...] = x_ref[...] + pos_ref[...]


def _tc_head(x, pos_table):
    grid = (L_TC // LB, B)
    return pl.pallas_call(
        _tc_add,
        grid=grid,
        in_specs=[
            pl.BlockSpec((1, LB, D), lambda l, b: (b, l, 0)),
            pl.BlockSpec((LB, D), lambda l, b: (l, 0)),
        ],
        out_specs=pl.BlockSpec((1, LB, D), lambda l, b: (b, l, 0)),
        out_shape=jax.ShapeDtypeStruct((B, L, D), x.dtype),
        compiler_params=pltpu.CompilerParams(
            dimension_semantics=("arbitrary", "arbitrary"),
        ),
    )(x, pos_table)


def kernel(x, pos_table):
    sc_part = _sc_tail(x.reshape(-1), pos_table.reshape(-1))
    tc_out = _tc_head(x, pos_table)
    return lax.dynamic_update_slice(
        tc_out, sc_part.reshape(B, L_SC, D), (0, L_TC, 0))

# --- scband reference (transcript-rebuilt; emitter-appended) ---
"""Pipeline reference for scband-learnable-positional-encoding-71975061946807 (READ-ONLY COPY).

The authoritative reference and input builder live on the scoring server;
editing this copy changes nothing except your own understanding.
"""

import jax, jax.numpy as jnp
import numpy as np

MAX_POS = 4096
EMB_DIM = 1024
B, L, D = 4, 4096, 1024

def setup_inputs(seed: int = 0) -> dict:
    key = jax.random.key(seed)
    k1, k2 = jax.random.split(key)
    x = jax.random.normal(k1, (B, L, D), dtype=jnp.float32)
    pos_table = jax.random.normal(k2, (MAX_POS, EMB_DIM), dtype=jnp.float32) * 0.02
    return {"x": x, "pos_table": pos_table}

def reference(x, pos_table):
    # pos_ids = arange(L) -> embedding lookup -> broadcast add
    L_ = x.shape[1]
    pos_ids = jnp.arange(L_, dtype=jnp.int32)
    pos_embs = jnp.take(pos_table, pos_ids, axis=0)  # [L, D]
    out = x + pos_embs[None, :, :]
    # dropout is identity in eval mode
    return out

if __name__ == "__main__":
    import jax
    _d = setup_inputs()
    print(jax.jit(kernel)(*tuple(_d.values())))

</pallas_src>

<mosaic_0001>
#map = affine_map<(d0, d1) -> (0)>
module attributes {stable_mosaic.version = 14 : i64} {
  func.func @_sc_body(%arg0: i32, %arg1: i32, %arg2: memref<16777216xf32, #tpu.memory_space<hbm>>, %arg3: memref<4194304xf32, #tpu.memory_space<hbm>>, %arg4: memref<2097152xf32, #tpu.memory_space<hbm>>, %arg5: memref<16384xf32, #tpu.memory_space<vmem>>, %arg6: memref<16384xf32, #tpu.memory_space<vmem>>, %arg7: memref<16384xf32, #tpu.memory_space<vmem>>, %arg8: memref<16384xf32, #tpu.memory_space<vmem>>, %arg9: memref<16384xf32, #tpu.memory_space<vmem>>, %arg10: memref<!tpu.dma_semaphore, #tpu.memory_space<semaphore_mem>>, %arg11: memref<!tpu.dma_semaphore, #tpu.memory_space<semaphore_mem>>, %arg12: memref<!tpu.dma_semaphore, #tpu.memory_space<semaphore_mem>>, %arg13: memref<!tpu.dma_semaphore, #tpu.memory_space<semaphore_mem>>, %arg14: memref<!tpu.dma_semaphore, #tpu.memory_space<semaphore_mem>>, %arg15: memref<!tpu.dma_semaphore, #tpu.memory_space<semaphore_mem>>, %arg16: memref<!tpu.dma_semaphore, #tpu.memory_space<semaphore_mem>>, %arg17: memref<!tpu.dma_semaphore, #tpu.memory_space<semaphore_mem>>) attributes {dimension_semantics = [#tpu.dimension_semantics<core_parallel>, #tpu.dimension_semantics<subcore_parallel>], iteration_bounds = array<i64: 2, 16>, scalar_prefetch = 0 : i64, scratch_operands = 13 : i64, tpu.core_type = #tpu.core_type<sc_vector_subcore>, window_params = [{transform_indices = #map}, {transform_indices = #map}, {transform_indices = #map}]} {
    %mul3A = arith.constant 2 : i32
    %mul3A_0 = arith.muli %arg1, %mul3A : i32
    %add3A = arith.addi %mul3A_0, %arg0 : i32
    %mul3A_1 = arith.constant 16 : i32
    %mul3A_2 = arith.muli %add3A, %mul3A_1 : i32
    %add3A_3 = arith.constant 3584 : i32
    %add3A_4 = arith.addi %add3A_3, %mul3A_2 : i32
    %mul3A_5 = arith.constant 1024 : i32
    %mul3A_6 = arith.muli %add3A_4, %mul3A_5 : i32
    %mul3A_7 = arith.constant 16384 : i32
    %mul3A_8 = arith.muli %add3A, %mul3A_7 : i32
    %add3A_9 = arith.constant 0 : i32
    %add3A_10 = arith.addi %mul3A_6, %add3A_9 : i32
    %dma_start3A = tpu.memref_slice %arg3[%add3A_10] : memref<4194304xf32, #tpu.memory_space<hbm>> -> memref<16384xf32, #tpu.memory_space<hbm>>
    %dma_start3A_11 = tpu.memref_slice %arg3[%add3A_10] : memref<4194304xf32, #tpu.memory_space<hbm>> -> memref<16384xf32, #tpu.memory_space<hbm>>
    tpu.enqueue_dma source(%dma_start3A_11 : memref<16384xf32, #tpu.memory_space<hbm>>) target(%arg8 : memref<16384xf32, #tpu.memory_space<vmem>>) target_semaphore(%arg16 : memref<!tpu.dma_semaphore, #tpu.memory_space<semaphore_mem>>)
    %add3A_12 = arith.constant 0 : i32
    %add3A_13 = arith.addi %add3A_12, %mul3A_6 : i32
    %add3A_14 = arith.constant 0 : i32
    %add3A_15 = arith.addi %add3A_13, %add3A_14 : i32
    %dma_start3A_16 = tpu.memref_slice %arg2[%add3A_15] : memref<16777216xf32, #tpu.memory_space<hbm>> -> memref<16384xf32, #tpu.memory_space<hbm>>
    %dma_start3A_17 = tpu.memref_slice %arg2[%add3A_15] : memref<16777216xf32, #tpu.memory_space<hbm>> -> memref<16384xf32, #tpu.memory_space<hbm>>
    tpu.enqueue_dma source(%dma_start3A_17 : memref<16384xf32, #tpu.memory_space<hbm>>) target(%arg5 : memref<16384xf32, #tpu.memory_space<vmem>>) target_semaphore(%arg10 : memref<!tpu.dma_semaphore, #tpu.memory_space<semaphore_mem>>)
    %add3A_18 = arith.constant 4194304 : i32
    %add3A_19 = arith.addi %add3A_18, %mul3A_6 : i32
    %add3A_20 = arith.constant 0 : i32
    %add3A_21 = arith.addi %add3A_19, %add3A_20 : i32
    %dma_start3A_22 = tpu.memref_slice %arg2[%add3A_21] : memref<16777216xf32, #tpu.memory_space<hbm>> -> memref<16384xf32, #tpu.memory_space<hbm>>
    %dma_start3A_23 = tpu.memref_slice %arg2[%add3A_21] : memref<16777216xf32, #tpu.memory_space<hbm>> -> memref<16384xf32, #tpu.memory_space<hbm>>
    tpu.enqueue_dma source(%dma_start3A_23 : memref<16384xf32, #tpu.memory_space<hbm>>) target(%arg6 : memref<16384xf32, #tpu.memory_space<vmem>>) target_semaphore(%arg11 : memref<!tpu.dma_semaphore, #tpu.memory_space<semaphore_mem>>)
    %add3A_24 = arith.constant 8388608 : i32
    %add3A_25 = arith.addi %add3A_24, %mul3A_6 : i32
    %add3A_26 = arith.constant 0 : i32
    %add3A_27 = arith.addi %add3A_25, %add3A_26 : i32
    %dma_start3A_28 = tpu.memref_slice %arg2[%add3A_27] : memref<16777216xf32, #tpu.memory_space<hbm>> -> memref<16384xf32, #tpu.memory_space<hbm>>
    %dma_start3A_29 = tpu.memref_slice %arg2[%add3A_27] : memref<16777216xf32, #tpu.memory_space<hbm>> -> memref<16384xf32, #tpu.memory_space<hbm>>
    tpu.enqueue_dma source(%dma_start3A_29 : memref<16384xf32, #tpu.memory_space<hbm>>) target(%arg7 : memref<16384xf32, #tpu.memory_space<vmem>>) target_semaphore(%arg12 : memref<!tpu.dma_semaphore, #tpu.memory_space<semaphore_mem>>)
    %add3A_30 = arith.constant 0 : i32
    %add3A_31 = arith.addi %add3A_30, %mul3A_6 : i32
    %add3A_32 = arith.constant 0 : i32
    %add3A_33 = arith.addi %add3A_31, %add3A_32 : i32
    %dma_wait3A = tpu.memref_slice %arg2[%add3A_33] : memref<16777216xf32, #tpu.memory_space<hbm>> -> memref<16384xf32, #tpu.memory_space<hbm>>
    %dma_wait3A_34 = tpu.memref_slice %arg2[%add3A_33] : memref<16777216xf32, #tpu.memory_space<hbm>> -> memref<16384xf32, #tpu.memory_space<hbm>>
    tpu.wait_dma2 semaphore(%arg10 : memref<!tpu.dma_semaphore, #tpu.memory_space<semaphore_mem>>) src(%dma_wait3A_34 : memref<16384xf32, #tpu.memory_space<hbm>>) dst(%arg5 : memref<16384xf32, #tpu.memory_space<vmem>>)
    %add3A_35 = arith.constant 0 : i32
    %add3A_36 = arith.addi %mul3A_6, %add3A_35 : i32
    %dma_wait3A_37 = tpu.memref_slice %arg3[%add3A_36] : memref<4194304xf32, #tpu.memory_space<hbm>> -> memref<16384xf32, #tpu.memory_space<hbm>>
    %dma_wait3A_38 = tpu.memref_slice %arg3[%add3A_36] : memref<4194304xf32, #tpu.memory_space<hbm>> -> memref<16384xf32, #tpu.memory_space<hbm>>
    tpu.wait_dma2 semaphore(%arg16 : memref<!tpu.dma_semaphore, #tpu.memory_space<semaphore_mem>>) src(%dma_wait3A_38 : memref<16384xf32, #tpu.memory_space<hbm>>) dst(%arg8 : memref<16384xf32, #tpu.memory_space<vmem>>)
    %scan3A = arith.constant 0 : i32
    %scan3A_39 = arith.constant 0 : i32
    %scan3A_40 = arith.constant 128 : i32
    %scan3A_41 = arith.addi %scan3A_39, %scan3A_40 : i32
    %scan3A_42 = arith.constant 1 : i32
    %scan3A_43 = scf.for %scan3A_138 = %scan3A_39 to %scan3A_41 step %scan3A_42 iter_args(%scan3A_139 = %scan3A) -> (i32)  : i32 {
      %mul3A_140 = arith.constant 128 : i32
      %mul3A_141 = arith.muli %scan3A_138, %mul3A_140 : i32
      %add3A_142 = arith.constant 0 : i32
      %add3A_143 = arith.addi %mul3A_141, %add3A_142 : i32
      %get3A = arith.index_cast %add3A_143 : i32 to index
      %get3A_144 = tpu.vector_load %arg5[%get3A] {strides = array<i32>} : memref<16384xf32, #tpu.memory_space<vmem>>, vector<16xf32>,
      %get3A_145 = vector.shape_cast %get3A_144 : vector<16xf32> to vector<16xf32>
      %get3A_146 = arith.index_cast %add3A_143 : i32 to index
      %get3A_147 = tpu.vector_load %arg8[%get3A_146] {strides = array<i32>} : memref<16384xf32, #tpu.memory_space<vmem>>, vector<16xf32>,
      %get3A_148 = vector.shape_cast %get3A_147 : vector<16xf32> to vector<16xf32>
      %add3A_149 = arith.addf %get3A_145, %get3A_148 : vector<16xf32>
      %swap3A = arith.index_cast %add3A_143 : i32 to index
      %swap3A_150 = tpu.vector_load %arg5[%swap3A] {strides = array<i32>} : memref<16384xf32, #tpu.memory_space<vmem>>, vector<16xf32>,
      %swap3A_151 = vector.shape_cast %swap3A_150 : vector<16xf32> to vector<16xf32>
      %swap3A_152 = vector.shape_cast %add3A_149 : vector<16xf32> to vector<16xf32>
      tpu.vector_store %arg5[%swap3A], %swap3A_152 {strides = array<i32>} : memref<16384xf32, #tpu.memory_space<vmem>>, vector<16xf32>,
      %add3A_153 = arith.constant 16 : i32
      %add3A_154 = arith.addi %mul3A_141, %add3A_153 : i32
      %get3A_155 = arith.index_cast %add3A_154 : i32 to index
      %get3A_156 = tpu.vector_load %arg5[%get3A_155] {strides = array<i32>} : memref<16384xf32, #tpu.memory_space<vmem>>, vector<16xf32>,
      %get3A_157 = vector.shape_cast %get3A_156 : vector<16xf32> to vector<16xf32>
      %get3A_158 = arith.index_cast %add3A_154 : i32 to index
      %get3A_159 = tpu.vector_load %arg8[%get3A_158] {strides = array<i32>} : memref<16384xf32, #tpu.memory_space<vmem>>, vector<16xf32>,
      %get3A_160 = vector.shape_cast %get3A_159 : vector<16xf32> to vector<16xf32>
      %add3A_161 = arith.addf %get3A_157, %get3A_160 : vector<16xf32>
      %swap3A_162 = arith.index_cast %add3A_154 : i32 to index
      %swap3A_163 = tpu.vector_load %arg5[%swap3A_162] {strides = array<i32>} : memref<16384xf32, #tpu.memory_space<vmem>>, vector<16xf32>,
      %swap3A_164 = vector.shape_cast %swap3A_163 : vector<16xf32> to vector<16xf32>
      %swap3A_165 = vector.shape_cast %add3A_161 : vector<16xf32> to vector<16xf32>
      tpu.vector_store %arg5[%swap3A_162], %swap3A_165 {strides = array<i32>} : memref<16384xf32, #tpu.memory_space<vmem>>, vector<16xf32>,
      %add3A_166 = arith.constant 32 : i32
      %add3A_167 = arith.addi %mul3A_141, %add3A_166 : i32
      %get3A_168 = arith.index_cast %add3A_167 : i32 to index
      %get3A_169 = tpu.vector_load %arg5[%get3A_168] {strides = array<i32>} : memref<16384xf32, #tpu.memory_space<vmem>>, vector<16xf32>,
      %get3A_170 = vector.shape_cast %get3A_169 : vector<16xf32> to vector<16xf32>
      %get3A_171 = arith.index_cast %add3A_167 : i32 to index
      %get3A_172 = tpu.vector_load %arg8[%get3A_171] {strides = array<i32>} : memref<16384xf32, #tpu.memory_space<vmem>>, vector<16xf32>,
      %get3A_173 = vector.shape_cast %get3A_172 : vector<16xf32> to vector<16xf32>
      %add3A_174 = arith.addf %get3A_170, %get3A_173 : vector<16xf32>
      %swap3A_175 = arith.index_cast %add3A_167 : i32 to index
      %swap3A_176 = tpu.vector_load %arg5[%swap3A_175] {strides = array<i32>} : memref<16384xf32, #tpu.memory_space<vmem>>, vector<16xf32>,
      %swap3A_177 = vector.shape_cast %swap3A_176 : vector<16xf32> to vector<16xf32>
      %swap3A_178 = vector.shape_cast %add3A_174 : vector<16xf32> to vector<16xf32>
      tpu.vector_store %arg5[%swap3A_175], %swap3A_178 {strides = array<i32>} : memref<16384xf32, #tpu.memory_space<vmem>>, vector<16xf32>,
      %add3A_179 = arith.constant 48 : i32
      %add3A_180 = arith.addi %mul3A_141, %add3A_179 : i32
      %get3A_181 = arith.index_cast %add3A_180 : i32 to index
      %get3A_182 = tpu.vector_load %arg5[%get3A_181] {strides = array<i32>} : memref<16384xf32, #tpu.memory_space<vmem>>, vector<16xf32>,
      %get3A_183 = vector.shape_cast %get3A_182 : vector<16xf32> to vector<16xf32>
      %get3A_184 = arith.index_cast %add3A_180 : i32 to index
      %get3A_185 = tpu.vector_load %arg8[%get3A_184] {strides = array<i32>} : memref<16384xf32, #tpu.memory_space<vmem>>, vector<16xf32>,
      %get3A_186 = vector.shape_cast %get3A_185 : vector<16xf32> to vector<16xf32>
      %add3A_187 = arith.addf %get3A_183, %get3A_186 : vector<16xf32>
      %swap3A_188 = arith.index_cast %add3A_180 : i32 to index
      %swap3A_189 = tpu.vector_load %arg5[%swap3A_188] {strides = array<i32>} : memref<16384xf32, #tpu.memory_space<vmem>>, vector<16xf32>,
      %swap3A_190 = vector.shape_cast %swap3A_189 : vector<16xf32> to vector<16xf32>
      %swap3A_191 = vector.shape_cast %add3A_187 : vector<16xf32> to vector<16xf32>
      tpu.vector_store %arg5[%swap3A_188], %swap3A_191 {strides = array<i32>} : memref<16384xf32, #tpu.memory_space<vmem>>, vector<16xf32>,
      %add3A_192 = arith.constant 64 : i32
      %add3A_193 = arith.addi %mul3A_141, %add3A_192 : i32
      %get3A_194 = arith.index_cast %add3A_193 : i32 to index
      %get3A_195 = tpu.vector_load %arg5[%get3A_194] {strides = array<i32>} : memref<16384xf32, #tpu.memory_space<vmem>>, vector<16xf32>,
      %get3A_196 = vector.shape_cast %get3A_195 : vector<16xf32> to vector<16xf32>
      %get3A_197 = arith.index_cast %add3A_193 : i32 to index
      %get3A_198 = tpu.vector_load %arg8[%get3A_197] {strides = array<i32>} : memref<16384xf32, #tpu.memory_space<vmem>>, vector<16xf32>,
      %get3A_199 = vector.shape_cast %get3A_198 : vector<16xf32> to vector<16xf32>
      %add3A_200 = arith.addf %get3A_196, %get3A_199 : vector<16xf32>
      %swap3A_201 = arith.index_cast %add3A_193 : i32 to index
      %swap3A_202 = tpu.vector_load %arg5[%swap3A_201] {strides = array<i32>} : memref<16384xf32, #tpu.memory_space<vmem>>, vector<16xf32>,
      %swap3A_203 = vector.shape_cast %swap3A_202 : vector<16xf32> to vector<16xf32>
      %swap3A_204 = vector.shape_cast %add3A_200 : vector<16xf32> to vector<16xf32>
      tpu.vector_store %arg5[%swap3A_201], %swap3A_204 {strides = array<i32>} : memref<16384xf32, #tpu.memory_space<vmem>>, vector<16xf32>,
      %add3A_205 = arith.constant 80 : i32
      %add3A_206 = arith.addi %mul3A_141, %add3A_205 : i32
      %get3A_207 = arith.index_cast %add3A_206 : i32 to index
      %get3A_208 = tpu.vector_load %arg5[%get3A_207] {strides = array<i32>} : memref<16384xf32, #tpu.memory_space<vmem>>, vector<16xf32>,
      %get3A_209 = vector.shape_cast %get3A_208 : vector<16xf32> to vector<16xf32>
      %get3A_210 = arith.index_cast %add3A_206 : i32 to index
      %get3A_211 = tpu.vector_load %arg8[%get3A_210] {strides = array<i32>} : memref<16384xf32, #tpu.memory_space<vmem>>, vector<16xf32>,
      %get3A_212 = vector.shape_cast %get3A_211 : vector<16xf32> to vector<16xf32>
      %add3A_213 = arith.addf %get3A_209, %get3A_212 : vector<16xf32>
      %swap3A_214 = arith.index_cast %add3A_206 : i32 to index
      %swap3A_215 = tpu.vector_load %arg5[%swap3A_214] {strides = array<i32>} : memref<16384xf32, #tpu.memory_space<vmem>>, vector<16xf32>,
      %swap3A_216 = vector.shape_cast %swap3A_215 : vector<16xf32> to vector<16xf32>
      %swap3A_217 = vector.shape_cast %add3A_213 : vector<16xf32> to vector<16xf32>
      tpu.vector_store %arg5[%swap3A_214], %swap3A_217 {strides = array<i32>} : memref<16384xf32, #tpu.memory_space<vmem>>, vector<16xf32>,
      %add3A_218 = arith.constant 96 : i32
      %add3A_219 = arith.addi %mul3A_141, %add3A_218 : i32
      %get3A_220 = arith.index_cast %add3A_219 : i32 to index
      %get3A_221 = tpu.vector_load %arg5[%get3A_220] {strides = array<i32>} : memref<16384xf32, #tpu.memory_space<vmem>>, vector<16xf32>,
      %get3A_222 = vector.shape_cast %get3A_221 : vector<16xf32> to vector<16xf32>
      %get3A_223 = arith.index_cast %add3A_219 : i32 to index
      %get3A_224 = tpu.vector_load %arg8[%get3A_223] {strides = array<i32>} : memref<16384xf32, #tpu.memory_space<vmem>>, vector<16xf32>,
      %get3A_225 = vector.shape_cast %get3A_224 : vector<16xf32> to vector<16xf32>
      %add3A_226 = arith.addf %get3A_222, %get3A_225 : vector<16xf32>
      %swap3A_227 = arith.index_cast %add3A_219 : i32 to index
      %swap3A_228 = tpu.vector_load %arg5[%swap3A_227] {strides = array<i32>} : memref<16384xf32, #tpu.memory_space<vmem>>, vector<16xf32>,
      %swap3A_229 = vector.shape_cast %swap3A_228 : vector<16xf32> to vector<16xf32>
      %swap3A_230 = vector.shape_cast %add3A_226 : vector<16xf32> to vector<16xf32>
      tpu.vector_store %arg5[%swap3A_227], %swap3A_230 {strides = array<i32>} : memref<16384xf32, #tpu.memory_space<vmem>>, vector<16xf32>,
      %add3A_231 = arith.constant 112 : i32
      %add3A_232 = arith.addi %mul3A_141, %add3A_231 : i32
      %get3A_233 = arith.index_cast %add3A_232 : i32 to index
      %get3A_234 = tpu.vector_load %arg5[%get3A_233] {strides = array<i32>} : memref<16384xf32, #tpu.memory_space<vmem>>, vector<16xf32>,
      %get3A_235 = vector.shape_cast %get3A_234 : vector<16xf32> to vector<16xf32>
      %get3A_236 = arith.index_cast %add3A_232 : i32 to index
      %get3A_237 = tpu.vector_load %arg8[%get3A_236] {strides = array<i32>} : memref<16384xf32, #tpu.memory_space<vmem>>, vector<16xf32>,
      %get3A_238 = vector.shape_cast %get3A_237 : vector<16xf32> to vector<16xf32>
      %add3A_239 = arith.addf %get3A_235, %get3A_238 : vector<16xf32>
      %swap3A_240 = arith.index_cast %add3A_232 : i32 to index
      %swap3A_241 = tpu.vector_load %arg5[%swap3A_240] {strides = array<i32>} : memref<16384xf32, #tpu.memory_space<vmem>>, vector<16xf32>,
      %swap3A_242 = vector.shape_cast %swap3A_241 : vector<16xf32> to vector<16xf32>
      %swap3A_243 = vector.shape_cast %add3A_239 : vector<16xf32> to vector<16xf32>
      tpu.vector_store %arg5[%swap3A_240], %swap3A_243 {strides = array<i32>} : memref<16384xf32, #tpu.memory_space<vmem>>, vector<16xf32>,
      %scan3A_244 = arith.constant 0 : i32
      scf.yield %scan3A_244 : i32
    }
    %scan3A_44 = arith.constant 128 : i32
    %add3A_45 = arith.constant 0 : i32
    %add3A_46 = arith.addi %add3A_45, %mul3A_8 : i32
    %add3A_47 = arith.constant 0 : i32
    %add3A_48 = arith.addi %add3A_46, %add3A_47 : i32
    %dma_start3A_49 = tpu.memref_slice %arg4[%add3A_48] : memref<2097152xf32, #tpu.memory_space<hbm>> -> memref<16384xf32, #tpu.memory_space<hbm>>
    %dma_start3A_50 = tpu.memref_slice %arg4[%add3A_48] : memref<2097152xf32, #tpu.memory_space<hbm>> -> memref<16384xf32, #tpu.memory_space<hbm>>
    tpu.enqueue_dma source(%arg5 : memref<16384xf32, #tpu.memory_space<vmem>>) target(%dma_start3A_50 : memref<16384xf32, #tpu.memory_space<hbm>>) target_semaphore(%arg13 : memref<!tpu.dma_semaphore, #tpu.memory_space<semaphore_mem>>)
    %add3A_51 = arith.constant 0 : i32
    %add3A_52 = arith.addi %add3A_51, %mul3A_8 : i32
    %add3A_53 = arith.constant 0 : i32
    %add3A_54 = arith.addi %add3A_52, %add3A_53 : i32
    %dma_wait3A_55 = tpu.memref_slice %arg4[%add3A_54] : memref<2097152xf32, #tpu.memory_space<hbm>> -> memref<16384xf32, #tpu.memory_space<hbm>>
    %dma_wait3A_56 = tpu.memref_slice %arg4[%add3A_54] : memref<2097152xf32, #tpu.memory_space<hbm>> -> memref<16384xf32, #tpu.memory_space<hbm>>
    tpu.wait_dma2 semaphore(%arg13 : memref<!tpu.dma_semaphore, #tpu.memory_space<semaphore_mem>>) src(%arg5 : memref<16384xf32, #tpu.memory_space<vmem>>) dst(%dma_wait3A_56 : memref<16384xf32, #tpu.memory_space<hbm>>)
    %add3A_57 = arith.constant 12582912 : i32
    %add3A_58 = arith.addi %add3A_57, %mul3A_6 : i32
    %add3A_59 = arith.constant 0 : i32
    %add3A_60 = arith.addi %add3A_58, %add3A_59 : i32
    %dma_start3A_61 = tpu.memref_slice %arg2[%add3A_60] : memref<16777216xf32, #tpu.memory_space<hbm>> -> memref<16384xf32, #tpu.memory_space<hbm>>
    %dma_start3A_62 = tpu.memref_slice %arg2[%add3A_60] : memref<16777216xf32, #tpu.memory_space<hbm>> -> memref<16384xf32, #tpu.memory_space<hbm>>
    tpu.enqueue_dma source(%dma_start3A_62 : memref<16384xf32, #tpu.memory_space<hbm>>) target(%arg5 : memref<16384xf32, #tpu.memory_space<vmem>>) target_semaphore(%arg10 : memref<!tpu.dma_semaphore, #tpu.memory_space<semaphore_mem>>)
    %add3A_63 = arith.constant 4194304 : i32
    %add3A_64 = arith.addi %add3A_63, %mul3A_6 : i32
    %add3A_65 = arith.constant 0 : i32
    %add3A_66 = arith.addi %add3A_64, %add3A_65 : i32
    %dma_wait3A_67 = tpu.memref_slice %arg2[%add3A_66] : memref<16777216xf32, #tpu.memory_space<hbm>> -> memref<16384xf32, #tpu.memory_space<hbm>>
    %dma_wait3A_68 = tpu.memref_slice %arg2[%add3A_66] : memref<16777216xf32, #tpu.memory_space<hbm>> -> memref<16384xf32, #tpu.memory_space<hbm>>
    tpu.wait_dma2 semaphore(%arg11 : memref<!tpu.dma_semaphore, #tpu.memory_space<semaphore_mem>>) src(%dma_wait3A_68 : memref<16384xf32, #tpu.memory_space<hbm>>) dst(%arg6 : memref<16384xf32, #tpu.memory_space<vmem>>)
    %scan3A_69 = arith.constant 0 : i32
    %scan3A_70 = arith.constant 0 : i32
    %scan3A_71 = arith.constant 128 : i32
    %scan3A_72 = arith.addi %scan3A_70, %scan3A_71 : i32
    %scan3A_73 = arith.constant 1 : i32
    %scan3A_74 = scf.for %scan3A_138 = %scan3A_70 to %scan3A_72 step %scan3A_73 iter_args(%scan3A_139 = %scan3A_69) -> (i32)  : i32 {
      %mul3A_140 = arith.constant 128 : i32
      %mul3A_141 = arith.muli %scan3A_138, %mul3A_140 : i32
      %add3A_142 = arith.constant 0 : i32
      %add3A_143 = arith.addi %mul3A_141, %add3A_142 : i32
      %get3A = arith.index_cast %add3A_143 : i32 to index
      %get3A_144 = tpu.vector_load %arg6[%get3A] {strides = array<i32>} : memref<16384xf32, #tpu.memory_space<vmem>>, vector<16xf32>,
      %get3A_145 = vector.shape_cast %get3A_144 : vector<16xf32> to vector<16xf32>
      %get3A_146 = arith.index_cast %add3A_143 : i32 to index
      %get3A_147 = tpu.vector_load %arg8[%get3A_146] {strides = array<i32>} : memref<16384xf32, #tpu.memory_space<vmem>>, vector<16xf32>,
      %get3A_148 = vector.shape_cast %get3A_147 : vector<16xf32> to vector<16xf32>
      %add3A_149 = arith.addf %get3A_145, %get3A_148 : vector<16xf32>
      %swap3A = arith.index_cast %add3A_143 : i32 to index
      %swap3A_150 = tpu.vector_load %arg6[%swap3A] {strides = array<i32>} : memref<16384xf32, #tpu.memory_space<vmem>>, vector<16xf32>,
      %swap3A_151 = vector.shape_cast %swap3A_150 : vector<16xf32> to vector<16xf32>
      %swap3A_152 = vector.shape_cast %add3A_149 : vector<16xf32> to vector<16xf32>
      tpu.vector_store %arg6[%swap3A], %swap3A_152 {strides = array<i32>} : memref<16384xf32, #tpu.memory_space<vmem>>, vector<16xf32>,
      %add3A_153 = arith.constant 16 : i32
      %add3A_154 = arith.addi %mul3A_141, %add3A_153 : i32
      %get3A_155 = arith.index_cast %add3A_154 : i32 to index
      %get3A_156 = tpu.vector_load %arg6[%get3A_155] {strides = array<i32>} : memref<16384xf32, #tpu.memory_space<vmem>>, vector<16xf32>,
      %get3A_157 = vector.shape_cast %get3A_156 : vector<16xf32> to vector<16xf32>
      %get3A_158 = arith.index_cast %add3A_154 : i32 to index
      %get3A_159 = tpu.vector_load %arg8[%get3A_158] {strides = array<i32>} : memref<16384xf32, #tpu.memory_space<vmem>>, vector<16xf32>,
      %get3A_160 = vector.shape_cast %get3A_159 : vector<16xf32> to vector<16xf32>
      %add3A_161 = arith.addf %get3A_157, %get3A_160 : vector<16xf32>
      %swap3A_162 = arith.index_cast %add3A_154 : i32 to index
      %swap3A_163 = tpu.vector_load %arg6[%swap3A_162] {strides = array<i32>} : memref<16384xf32, #tpu.memory_space<vmem>>, vector<16xf32>,
      %swap3A_164 = vector.shape_cast %swap3A_163 : vector<16xf32> to vector<16xf32>
      %swap3A_165 = vector.shape_cast %add3A_161 : vector<16xf32> to vector<16xf32>
      tpu.vector_store %arg6[%swap3A_162], %swap3A_165 {strides = array<i32>} : memref<16384xf32, #tpu.memory_space<vmem>>, vector<16xf32>,
      %add3A_166 = arith.constant 32 : i32
      %add3A_167 = arith.addi %mul3A_141, %add3A_166 : i32
      %get3A_168 = arith.index_cast %add3A_167 : i32 to index
      %get3A_169 = tpu.vector_load %arg6[%get3A_168] {strides = array<i32>} : memref<16384xf32, #tpu.memory_space<vmem>>, vector<16xf32>,
      %get3A_170 = vector.shape_cast %get3A_169 : vector<16xf32> to vector<16xf32>
      %get3A_171 = arith.index_cast %add3A_167 : i32 to index
      %get3A_172 = tpu.vector_load %arg8[%get3A_171] {strides = array<i32>} : memref<16384xf32, #tpu.memory_space<vmem>>, vector<16xf32>,
      %get3A_173 = vector.shape_cast %get3A_172 : vector<16xf32> to vector<16xf32>
      %add3A_174 = arith.addf %get3A_170, %get3A_173 : vector<16xf32>
      %swap3A_175 = arith.index_cast %add3A_167 : i32 to index
      %swap3A_176 = tpu.vector_load %arg6[%swap3A_175] {strides = array<i32>} : memref<16384xf32, #tpu.memory_space<vmem>>, vector<16xf32>,
      %swap3A_177 = vector.shape_cast %swap3A_176 : vector<16xf32> to vector<16xf32>
      %swap3A_178 = vector.shape_cast %add3A_174 : vector<16xf32> to vector<16xf32>
      tpu.vector_store %arg6[%swap3A_175], %swap3A_178 {strides = array<i32>} : memref<16384xf32, #tpu.memory_space<vmem>>, vector<16xf32>,
      %add3A_179 = arith.constant 48 : i32
      %add3A_180 = arith.addi %mul3A_141, %add3A_179 : i32
      %get3A_181 = arith.index_cast %add3A_180 : i32 to index
      %get3A_182 = tpu.vector_load %arg6[%get3A_181] {strides = array<i32>} : memref<16384xf32, #tpu.memory_space<vmem>>, vector<16xf32>,
      %get3A_183 = vector.shape_cast %get3A_182 : vector<16xf32> to vector<16xf32>
      %get3A_184 = arith.index_cast %add3A_180 : i32 to index
      %get3A_185 = tpu.vector_load %arg8[%get3A_184] {strides = array<i32>} : memref<16384xf32, #tpu.memory_space<vmem>>, vector<16xf32>,
      %get3A_186 = vector.shape_cast %get3A_185 : vector<16xf32> to vector<16xf32>
      %add3A_187 = arith.addf %get3A_183, %get3A_186 : vector<16xf32>
      %swap3A_188 = arith.index_cast %add3A_180 : i32 to index
      %swap3A_189 = tpu.vector_load %arg6[%swap3A_188] {strides = array<i32>} : memref<16384xf32, #tpu.memory_space<vmem>>, vector<16xf32>,
      %swap3A_190 = vector.shape_cast %swap3A_189 : vector<16xf32> to vector<16xf32>
      %swap3A_191 = vector.shape_cast %add3A_187 : vector<16xf32> to vector<16xf32>
      tpu.vector_store %arg6[%swap3A_188], %swap3A_191 {strides = array<i32>} : memref<16384xf32, #tpu.memory_space<vmem>>, vector<16xf32>,
      %add3A_192 = arith.constant 64 : i32
      %add3A_193 = arith.addi %mul3A_141, %add3A_192 : i32
      %get3A_194 = arith.index_cast %add3A_193 : i32 to index
      %get3A_195 = tpu.vector_load %arg6[%get3A_194] {strides = array<i32>} : memref<16384xf32, #tpu.memory_space<vmem>>, vector<16xf32>,
      %get3A_196 = vector.shape_cast %get3A_195 : vector<16xf32> to vector<16xf32>
      %get3A_197 = arith.index_cast %add3A_193 : i32 to index
      %get3A_198 = tpu.vector_load %arg8[%get3A_197] {strides = array<i32>} : memref<16384xf32, #tpu.memory_space<vmem>>, vector<16xf32>,
      %get3A_199 = vector.shape_cast %get3A_198 : vector<16xf32> to vector<16xf32>
      %add3A_200 = arith.addf %get3A_196, %get3A_199 : vector<16xf32>
      %swap3A_201 = arith.index_cast %add3A_193 : i32 to index
      %swap3A_202 = tpu.vector_load %arg6[%swap3A_201] {strides = array<i32>} : memref<16384xf32, #tpu.memory_space<vmem>>, vector<16xf32>,
      %swap3A_203 = vector.shape_cast %swap3A_202 : vector<16xf32> to vector<16xf32>
      %swap3A_204 = vector.shape_cast %add3A_200 : vector<16xf32> to vector<16xf32>
      tpu.vector_store %arg6[%swap3A_201], %swap3A_204 {strides = array<i32>} : memref<16384xf32, #tpu.memory_space<vmem>>, vector<16xf32>,
      %add3A_205 = arith.constant 80 : i32
      %add3A_206 = arith.addi %mul3A_141, %add3A_205 : i32
      %get3A_207 = arith.index_cast %add3A_206 : i32 to index
      %get3A_208 = tpu.vector_load %arg6[%get3A_207] {strides = array<i32>} : memref<16384xf32, #tpu.memory_space<vmem>>, vector<16xf32>,
      %get3A_209 = vector.shape_cast %get3A_208 : vector<16xf32> to vector<16xf32>
      %get3A_210 = arith.index_cast %add3A_206 : i32 to index
      %get3A_211 = tpu.vector_load %arg8[%get3A_210] {strides = array<i32>} : memref<16384xf32, #tpu.memory_space<vmem>>, vector<16xf32>,
      %get3A_212 = vector.shape_cast %get3A_211 : vector<16xf32> to vector<16xf32>
      %add3A_213 = arith.addf %get3A_209, %get3A_212 : vector<16xf32>
      %swap3A_214 = arith.index_cast %add3A_206 : i32 to index
      %swap3A_215 = tpu.vector_load %arg6[%swap3A_214] {strides = array<i32>} : memref<16384xf32, #tpu.memory_space<vmem>>, vector<16xf32>,
      %swap3A_216 = vector.shape_cast %swap3A_215 : vector<16xf32> to vector<16xf32>
      %swap3A_217 = vector.shape_cast %add3A_213 : vector<16xf32> to vector<16xf32>
      tpu.vector_store %arg6[%swap3A_214], %swap3A_217 {strides = array<i32>} : memref<16384xf32, #tpu.memory_space<vmem>>, vector<16xf32>,
      %add3A_218 = arith.constant 96 : i32
      %add3A_219 = arith.addi %mul3A_141, %add3A_218 : i32
      %get3A_220 = arith.index_cast %add3A_219 : i32 to index
      %get3A_221 = tpu.vector_load %arg6[%get3A_220] {strides = array<i32>} : memref<16384xf32, #tpu.memory_space<vmem>>, vector<16xf32>,
      %get3A_222 = vector.shape_cast %get3A_221 : vector<16xf32> to vector<16xf32>
      %get3A_223 = arith.index_cast %add3A_219 : i32 to index
      %get3A_224 = tpu.vector_load %arg8[%get3A_223] {strides = array<i32>} : memref<16384xf32, #tpu.memory_space<vmem>>, vector<16xf32>,
      %get3A_225 = vector.shape_cast %get3A_224 : vector<16xf32> to vector<16xf32>
      %add3A_226 = arith.addf %get3A_222, %get3A_225 : vector<16xf32>
      %swap3A_227 = arith.index_cast %add3A_219 : i32 to index
      %swap3A_228 = tpu.vector_load %arg6[%swap3A_227] {strides = array<i32>} : memref<16384xf32, #tpu.memory_space<vmem>>, vector<16xf32>,
      %swap3A_229 = vector.shape_cast %swap3A_228 : vector<16xf32> to vector<16xf32>
      %swap3A_230 = vector.shape_cast %add3A_226 : vector<16xf32> to vector<16xf32>
      tpu.vector_store %arg6[%swap3A_227], %swap3A_230 {strides = array<i32>} : memref<16384xf32, #tpu.memory_space<vmem>>, vector<16xf32>,
      %add3A_231 = arith.constant 112 : i32
      %add3A_232 = arith.addi %mul3A_141, %add3A_231 : i32
      %get3A_233 = arith.index_cast %add3A_232 : i32 to index
      %get3A_234 = tpu.vector_load %arg6[%get3A_233] {strides = array<i32>} : memref<16384xf32, #tpu.memory_space<vmem>>, vector<16xf32>,
      %get3A_235 = vector.shape_cast %get3A_234 : vector<16xf32> to vector<16xf32>
      %get3A_236 = arith.index_cast %add3A_232 : i32 to index
      %get3A_237 = tpu.vector_load %arg8[%get3A_236] {strides = array<i32>} : memref<16384xf32, #tpu.memory_space<vmem>>, vector<16xf32>,
      %get3A_238 = vector.shape_cast %get3A_237 : vector<16xf32> to vector<16xf32>
      %add3A_239 = arith.addf %get3A_235, %get3A_238 : vector<16xf32>
      %swap3A_240 = arith.index_cast %add3A_232 : i32 to index
      %swap3A_241 = tpu.vector_load %arg6[%swap3A_240] {strides = array<i32>} : memref<16384xf32, #tpu.memory_space<vmem>>, vector<16xf32>,
      %swap3A_242 = vector.shape_cast %swap3A_241 : vector<16xf32> to vector<16xf32>
      %swap3A_243 = vector.shape_cast %add3A_239 : vector<16xf32> to vector<16xf32>
      tpu.vector_store %arg6[%swap3A_240], %swap3A_243 {strides = array<i32>} : memref<16384xf32, #tpu.memory_space<vmem>>, vector<16xf32>,
      %scan3A_244 = arith.constant 0 : i32
      scf.yield %scan3A_244 : i32
    }
    %scan3A_75 = arith.constant 128 : i32
    %add3A_76 = arith.constant 524288 : i32
    %add3A_77 = arith.addi %add3A_76, %mul3A_8 : i32
    %add3A_78 = arith.constant 0 : i32
    %add3A_79 = arith.addi %add3A_77, %add3A_78 : i32
    %dma_start3A_80 = tpu.memref_slice %arg4[%add3A_79] : memref<2097152xf32, #tpu.memory_space<hbm>> -> memref<16384xf32, #tpu.memory_space<hbm>>
    %dma_start3A_81 = tpu.memref_slice %arg4[%add3A_79] : memref<2097152xf32, #tpu.memory_space<hbm>> -> memref<16384xf32, #tpu.memory_space<hbm>>
    tpu.enqueue_dma source(%arg6 : memref<16384xf32, #tpu.memory_space<vmem>>) target(%dma_start3A_81 : memref<16384xf32, #tpu.memory_space<hbm>>) target_semaphore(%arg14 : memref<!tpu.dma_semaphore, #tpu.memory_space<semaphore_mem>>)
    %add3A_82 = arith.constant 8388608 : i32
    %add3A_83 = arith.addi %add3A_82, %mul3A_6 : i32
    %add3A_84 = arith.constant 0 : i32
    %add3A_85 = arith.addi %add3A_83, %add3A_84 : i32
    %dma_wait3A_86 = tpu.memref_slice %arg2[%add3A_85] : memref<16777216xf32, #tpu.memory_space<hbm>> -> memref<16384xf32, #tpu.memory_space<hbm>>
    %dma_wait3A_87 = tpu.memref_slice %arg2[%add3A_85] : memref<16777216xf32, #tpu.memory_space<hbm>> -> memref<16384xf32, #tpu.memory_space<hbm>>
    tpu.wait_dma2 semaphore(%arg12 : memref<!tpu.dma_semaphore, #tpu.memory_space<semaphore_mem>>) src(%dma_wait3A_87 : memref<16384xf32, #tpu.memory_space<hbm>>) dst(%arg7 : memref<16384xf32, #tpu.memory_space<vmem>>)
    %scan3A_88 = arith.constant 0 : i32
    %scan3A_89 = arith.constant 0 : i32
    %scan3A_90 = arith.constant 128 : i32
    %scan3A_91 = arith.addi %scan3A_89, %scan3A_90 : i32
    %scan3A_92 = arith.constant 1 : i32
    %scan3A_93 = scf.for %scan3A_138 = %scan3A_89 to %scan3A_91 step %scan3A_92 iter_args(%scan3A_139 = %scan3A_88) -> (i32)  : i32 {
      %mul3A_140 = arith.constant 128 : i32
      %mul3A_141 = arith.muli %scan3A_138, %mul3A_140 : i32
      %add3A_142 = arith.constant 0 : i32
      %add3A_143 = arith.addi %mul3A_141, %add3A_142 : i32
      %get3A = arith.index_cast %add3A_143 : i32 to index
      %get3A_144 = tpu.vector_load %arg7[%get3A] {strides = array<i32>} : memref<16384xf32, #tpu.memory_space<vmem>>, vector<16xf32>,
      %get3A_145 = vector.shape_cast %get3A_144 : vector<16xf32> to vector<16xf32>
      %get3A_146 = arith.index_cast %add3A_143 : i32 to index
      %get3A_147 = tpu.vector_load %arg8[%get3A_146] {strides = array<i32>} : memref<16384xf32, #tpu.memory_space<vmem>>, vector<16xf32>,
      %get3A_148 = vector.shape_cast %get3A_147 : vector<16xf32> to vector<16xf32>
      %add3A_149 = arith.addf %get3A_145, %get3A_148 : vector<16xf32>
      %swap3A = arith.index_cast %add3A_143 : i32 to index
      %swap3A_150 = tpu.vector_load %arg7[%swap3A] {strides = array<i32>} : memref<16384xf32, #tpu.memory_space<vmem>>, vector<16xf32>,
      %swap3A_151 = vector.shape_cast %swap3A_150 : vector<16xf32> to vector<16xf32>
      %swap3A_152 = vector.shape_cast %add3A_149 : vector<16xf32> to vector<16xf32>
      tpu.vector_store %arg7[%swap3A], %swap3A_152 {strides = array<i32>} : memref<16384xf32, #tpu.memory_space<vmem>>, vector<16xf32>,
      %add3A_153 = arith.constant 16 : i32
      %add3A_154 = arith.addi %mul3A_141, %add3A_153 : i32
      %get3A_155 = arith.index_cast %add3A_154 : i32 to index
      %get3A_156 = tpu.vector_load %arg7[%get3A_155] {strides = array<i32>} : memref<16384xf32, #tpu.memory_space<vmem>>, vector<16xf32>,
      %get3A_157 = vector.shape_cast %get3A_156 : vector<16xf32> to vector<16xf32>
      %get3A_158 = arith.index_cast %add3A_154 : i32 to index
      %get3A_159 = tpu.vector_load %arg8[%get3A_158] {strides = array<i32>} : memref<16384xf32, #tpu.memory_space<vmem>>, vector<16xf32>,
      %get3A_160 = vector.shape_cast %get3A_159 : vector<16xf32> to vector<16xf32>
      %add3A_161 = arith.addf %get3A_157, %get3A_160 : vector<16xf32>
      %swap3A_162 = arith.index_cast %add3A_154 : i32 to index
      %swap3A_163 = tpu.vector_load %arg7[%swap3A_162] {strides = array<i32>} : memref<16384xf32, #tpu.memory_space<vmem>>, vector<16xf32>,
      %swap3A_164 = vector.shape_cast %swap3A_163 : vector<16xf32> to vector<16xf32>
      %swap3A_165 = vector.shape_cast %add3A_161 : vector<16xf32> to vector<16xf32>
      tpu.vector_store %arg7[%swap3A_162], %swap3A_165 {strides = array<i32>} : memref<16384xf32, #tpu.memory_space<vmem>>, vector<16xf32>,
      %add3A_166 = arith.constant 32 : i32
      %add3A_167 = arith.addi %mul3A_141, %add3A_166 : i32
      %get3A_168 = arith.index_cast %add3A_167 : i32 to index
      %get3A_169 = tpu.vector_load %arg7[%get3A_168] {strides = array<i32>} : memref<16384xf32, #tpu.memory_space<vmem>>, vector<16xf32>,
      %get3A_170 = vector.shape_cast %get3A_169 : vector<16xf32> to vector<16xf32>
      %get3A_171 = arith.index_cast %add3A_167 : i32 to index
      %get3A_172 = tpu.vector_load %arg8[%get3A_171] {strides = array<i32>} : memref<16384xf32, #tpu.memory_space<vmem>>, vector<16xf32>,
      %get3A_173 = vector.shape_cast %get3A_172 : vector<16xf32> to vector<16xf32>
      %add3A_174 = arith.addf %get3A_170, %get3A_173 : vector<16xf32>
      %swap3A_175 = arith.index_cast %add3A_167 : i32 to index
      %swap3A_176 = tpu.vector_load %arg7[%swap3A_175] {strides = array<i32>} : memref<16384xf32, #tpu.memory_space<vmem>>, vector<16xf32>,
      %swap3A_177 = vector.shape_cast %swap3A_176 : vector<16xf32> to vector<16xf32>
      %swap3A_178 = vector.shape_cast %add3A_174 : vector<16xf32> to vector<16xf32>
      tpu.vector_store %arg7[%swap3A_175], %swap3A_178 {strides = array<i32>} : memref<16384xf32, #tpu.memory_space<vmem>>, vector<16xf32>,
      %add3A_179 = arith.constant 48 : i32
      %add3A_180 = arith.addi %mul3A_141, %add3A_179 : i32
      %get3A_181 = arith.index_cast %add3A_180 : i32 to index
      %get3A_182 = tpu.vector_load %arg7[%get3A_181] {strides = array<i32>} : memref<16384xf32, #tpu.memory_space<vmem>>, vector<16xf32>,
      %get3A_183 = vector.shape_cast %get3A_182 : vector<16xf32> to vector<16xf32>
      %get3A_184 = arith.index_cast %add3A_180 : i32 to index
      %get3A_185 = tpu.vector_load %arg8[%get3A_184] {strides = array<i32>} : memref<16384xf32, #tpu.memory_space<vmem>>, vector<16xf32>,
      %get3A_186 = vector.shape_cast %get3A_185 : vector<16xf32> to vector<16xf32>
      %add3A_187 = arith.addf %get3A_183, %get3A_186 : vector<16xf32>
      %swap3A_188 = arith.index_cast %add3A_180 : i32 to index
      %swap3A_189 = tpu.vector_load %arg7[%swap3A_188] {strides = array<i32>} : memref<16384xf32, #tpu.memory_space<vmem>>, vector<16xf32>,
      %swap3A_190 = vector.shape_cast %swap3A_189 : vector<16xf32> to vector<16xf32>
      %swap3A_191 = vector.shape_cast %add3A_187 : vector<16xf32> to vector<16xf32>
      tpu.vector_store %arg7[%swap3A_188], %swap3A_191 {strides = array<i32>} : memref<16384xf32, #tpu.memory_space<vmem>>, vector<16xf32>,
      %add3A_192 = arith.constant 64 : i32
      %add3A_193 = arith.addi %mul3A_141, %add3A_192 : i32
      %get3A_194 = arith.index_cast %add3A_193 : i32 to index
      %get3A_195 = tpu.vector_load %arg7[%get3A_194] {strides = array<i32>} : memref<16384xf32, #tpu.memory_space<vmem>>, vector<16xf32>,
      %get3A_196 = vector.shape_cast %get3A_195 : vector<16xf32> to vector<16xf32>
      %get3A_197 = arith.index_cast %add3A_193 : i32 to index
      %get3A_198 = tpu.vector_load %arg8[%get3A_197] {strides = array<i32>} : memref<16384xf32, #tpu.memory_space<vmem>>, vector<16xf32>,
      %get3A_199 = vector.shape_cast %get3A_198 : vector<16xf32> to vector<16xf32>
      %add3A_200 = arith.addf %get3A_196, %get3A_199 : vector<16xf32>
      %swap3A_201 = arith.index_cast %add3A_193 : i32 to index
      %swap3A_202 = tpu.vector_load %arg7[%swap3A_201] {strides = array<i32>} : memref<16384xf32, #tpu.memory_space<vmem>>, vector<16xf32>,
      %swap3A_203 = vector.shape_cast %swap3A_202 : vector<16xf32> to vector<16xf32>
      %swap3A_204 = vector.shape_cast %add3A_200 : vector<16xf32> to vector<16xf32>
      tpu.vector_store %arg7[%swap3A_201], %swap3A_204 {strides = array<i32>} : memref<16384xf32, #tpu.memory_space<vmem>>, vector<16xf32>,
      %add3A_205 = arith.constant 80 : i32
      %add3A_206 = arith.addi %mul3A_141, %add3A_205 : i32
      %get3A_207 = arith.index_cast %add3A_206 : i32 to index
      %get3A_208 = tpu.vector_load %arg7[%get3A_207] {strides = array<i32>} : memref<16384xf32, #tpu.memory_space<vmem>>, vector<16xf32>,
      %get3A_209 = vector.shape_cast %get3A_208 : vector<16xf32> to vector<16xf32>
      %get3A_210 = arith.index_cast %add3A_206 : i32 to index
      %get3A_211 = tpu.vector_load %arg8[%get3A_210] {strides = array<i32>} : memref<16384xf32, #tpu.memory_space<vmem>>, vector<16xf32>,
      %get3A_212 = vector.shape_cast %get3A_211 : vector<16xf32> to vector<16xf32>
      %add3A_213 = arith.addf %get3A_209, %get3A_212 : vector<16xf32>
      %swap3A_214 = arith.index_cast %add3A_206 : i32 to index
      %swap3A_215 = tpu.vector_load %arg7[%swap3A_214] {strides = array<i32>} : memref<16384xf32, #tpu.memory_space<vmem>>, vector<16xf32>,
      %swap3A_216 = vector.shape_cast %swap3A_215 : vector<16xf32> to vector<16xf32>
      %swap3A_217 = vector.shape_cast %add3A_213 : vector<16xf32> to vector<16xf32>
      tpu.vector_store %arg7[%swap3A_214], %swap3A_217 {strides = array<i32>} : memref<16384xf32, #tpu.memory_space<vmem>>, vector<16xf32>,
      %add3A_218 = arith.constant 96 : i32
      %add3A_219 = arith.addi %mul3A_141, %add3A_218 : i32
      %get3A_220 = arith.index_cast %add3A_219 : i32 to index
      %get3A_221 = tpu.vector_load %arg7[%get3A_220] {strides = array<i32>} : memref<16384xf32, #tpu.memory_space<vmem>>, vector<16xf32>,
      %get3A_222 = vector.shape_cast %get3A_221 : vector<16xf32> to vector<16xf32>
      %get3A_223 = arith.index_cast %add3A_219 : i32 to index
      %get3A_224 = tpu.vector_load %arg8[%get3A_223] {strides = array<i32>} : memref<16384xf32, #tpu.memory_space<vmem>>, vector<16xf32>,
      %get3A_225 = vector.shape_cast %get3A_224 : vector<16xf32> to vector<16xf32>
      %add3A_226 = arith.addf %get3A_222, %get3A_225 : vector<16xf32>
      %swap3A_227 = arith.index_cast %add3A_219 : i32 to index
      %swap3A_228 = tpu.vector_load %arg7[%swap3A_227] {strides = array<i32>} : memref<16384xf32, #tpu.memory_space<vmem>>, vector<16xf32>,
      %swap3A_229 = vector.shape_cast %swap3A_228 : vector<16xf32> to vector<16xf32>
      %swap3A_230 = vector.shape_cast %add3A_226 : vector<16xf32> to vector<16xf32>
      tpu.vector_store %arg7[%swap3A_227], %swap3A_230 {strides = array<i32>} : memref<16384xf32, #tpu.memory_space<vmem>>, vector<16xf32>,
      %add3A_231 = arith.constant 112 : i32
      %add3A_232 = arith.addi %mul3A_141, %add3A_231 : i32
      %get3A_233 = arith.index_cast %add3A_232 : i32 to index
      %get3A_234 = tpu.vector_load %arg7[%get3A_233] {strides = array<i32>} : memref<16384xf32, #tpu.memory_space<vmem>>, vector<16xf32>,
      %get3A_235 = vector.shape_cast %get3A_234 : vector<16xf32> to vector<16xf32>
      %get3A_236 = arith.index_cast %add3A_232 : i32 to index
      %get3A_237 = tpu.vector_load %arg8[%get3A_236] {strides = array<i32>} : memref<16384xf32, #tpu.memory_space<vmem>>, vector<16xf32>,
      %get3A_238 = vector.shape_cast %get3A_237 : vector<16xf32> to vector<16xf32>
      %add3A_239 = arith.addf %get3A_235, %get3A_238 : vector<16xf32>
      %swap3A_240 = arith.index_cast %add3A_232 : i32 to index
      %swap3A_241 = tpu.vector_load %arg7[%swap3A_240] {strides = array<i32>} : memref<16384xf32, #tpu.memory_space<vmem>>, vector<16xf32>,
      %swap3A_242 = vector.shape_cast %swap3A_241 : vector<16xf32> to vector<16xf32>
      %swap3A_243 = vector.shape_cast %add3A_239 : vector<16xf32> to vector<16xf32>
      tpu.vector_store %arg7[%swap3A_240], %swap3A_243 {strides = array<i32>} : memref<16384xf32, #tpu.memory_space<vmem>>, vector<16xf32>,
      %scan3A_244 = arith.constant 0 : i32
      scf.yield %scan3A_244 : i32
    }
    %scan3A_94 = arith.constant 128 : i32
    %add3A_95 = arith.constant 1048576 : i32
    %add3A_96 = arith.addi %add3A_95, %mul3A_8 : i32
    %add3A_97 = arith.constant 0 : i32
    %add3A_98 = arith.addi %add3A_96, %add3A_97 : i32
    %dma_start3A_99 = tpu.memref_slice %arg4[%add3A_98] : memref<2097152xf32, #tpu.memory_space<hbm>> -> memref<16384xf32, #tpu.memory_space<hbm>>
    %dma_start3A_100 = tpu.memref_slice %arg4[%add3A_98] : memref<2097152xf32, #tpu.memory_space<hbm>> -> memref<16384xf32, #tpu.memory_space<hbm>>
    tpu.enqueue_dma source(%arg7 : memref<16384xf32, #tpu.memory_space<vmem>>) target(%dma_start3A_100 : memref<16384xf32, #tpu.memory_space<hbm>>) target_semaphore(%arg15 : memref<!tpu.dma_semaphore, #tpu.memory_space<semaphore_mem>>)
    %add3A_101 = arith.constant 12582912 : i32
    %add3A_102 = arith.addi %add3A_101, %mul3A_6 : i32
    %add3A_103 = arith.constant 0 : i32
    %add3A_104 = arith.addi %add3A_102, %add3A_103 : i32
    %dma_wait3A_105 = tpu.memref_slice %arg2[%add3A_104] : memref<16777216xf32, #tpu.memory_space<hbm>> -> memref<16384xf32, #tpu.memory_space<hbm>>
    %dma_wait3A_106 = tpu.memref_slice %arg2[%add3A_104] : memref<16777216xf32, #tpu.memory_space<hbm>> -> memref<16384xf32, #tpu.memory_space<hbm>>
    tpu.wait_dma2 semaphore(%arg10 : memref<!tpu.dma_semaphore, #tpu.memory_space<semaphore_mem>>) src(%dma_wait3A_106 : memref<16384xf32, #tpu.memory_space<hbm>>) dst(%arg5 : memref<16384xf32, #tpu.memory_space<vmem>>)
    %scan3A_107 = arith.constant 0 : i32
    %scan3A_108 = arith.constant 0 : i32
    %scan3A_109 = arith.constant 128 : i32
    %scan3A_110 = arith.addi %scan3A_108, %scan3A_109 : i32
    %scan3A_111 = arith.constant 1 : i32
    %scan3A_112 = scf.for %scan3A_138 = %scan3A_108 to %scan3A_110 step %scan3A_111 iter_args(%scan3A_139 = %scan3A_107) -> (i32)  : i32 {
      %mul3A_140 = arith.constant 128 : i32
      %mul3A_141 = arith.muli %scan3A_138, %mul3A_140 : i32
      %add3A_142 = arith.constant 0 : i32
      %add3A_143 = arith.addi %mul3A_141, %add3A_142 : i32
      %get3A = arith.index_cast %add3A_143 : i32 to index
      %get3A_144 = tpu.vector_load %arg5[%get3A] {strides = array<i32>} : memref<16384xf32, #tpu.memory_space<vmem>>, vector<16xf32>,
      %get3A_145 = vector.shape_cast %get3A_144 : vector<16xf32> to vector<16xf32>
      %get3A_146 = arith.index_cast %add3A_143 : i32 to index
      %get3A_147 = tpu.vector_load %arg8[%get3A_146] {strides = array<i32>} : memref<16384xf32, #tpu.memory_space<vmem>>, vector<16xf32>,
      %get3A_148 = vector.shape_cast %get3A_147 : vector<16xf32> to vector<16xf32>
      %add3A_149 = arith.addf %get3A_145, %get3A_148 : vector<16xf32>
      %swap3A = arith.index_cast %add3A_143 : i32 to index
      %swap3A_150 = tpu.vector_load %arg5[%swap3A] {strides = array<i32>} : memref<16384xf32, #tpu.memory_space<vmem>>, vector<16xf32>,
      %swap3A_151 = vector.shape_cast %swap3A_150 : vector<16xf32> to vector<16xf32>
      %swap3A_152 = vector.shape_cast %add3A_149 : vector<16xf32> to vector<16xf32>
      tpu.vector_store %arg5[%swap3A], %swap3A_152 {strides = array<i32>} : memref<16384xf32, #tpu.memory_space<vmem>>, vector<16xf32>,
      %add3A_153 = arith.constant 16 : i32
      %add3A_154 = arith.addi %mul3A_141, %add3A_153 : i32
      %get3A_155 = arith.index_cast %add3A_154 : i32 to index
      %get3A_156 = tpu.vector_load %arg5[%get3A_155] {strides = array<i32>} : memref<16384xf32, #tpu.memory_space<vmem>>, vector<16xf32>,
      %get3A_157 = vector.shape_cast %get3A_156 : vector<16xf32> to vector<16xf32>
      %get3A_158 = arith.index_cast %add3A_154 : i32 to index
      %get3A_159 = tpu.vector_load %arg8[%get3A_158] {strides = array<i32>} : memref<16384xf32, #tpu.memory_space<vmem>>, vector<16xf32>,
      %get3A_160 = vector.shape_cast %get3A_159 : vector<16xf32> to vector<16xf32>
      %add3A_161 = arith.addf %get3A_157, %get3A_160 : vector<16xf32>
      %swap3A_162 = arith.index_cast %add3A_154 : i32 to index
      %swap3A_163 = tpu.vector_load %arg5[%swap3A_162] {strides = array<i32>} : memref<16384xf32, #tpu.memory_space<vmem>>, vector<16xf32>,
      %swap3A_164 = vector.shape_cast %swap3A_163 : vector<16xf32> to vector<16xf32>
      %swap3A_165 = vector.shape_cast %add3A_161 : vector<16xf32> to vector<16xf32>
      tpu.vector_store %arg5[%swap3A_162], %swap3A_165 {strides = array<i32>} : memref<16384xf32, #tpu.memory_space<vmem>>, vector<16xf32>,
      %add3A_166 = arith.constant 32 : i32
      %add3A_167 = arith.addi %mul3A_141, %add3A_166 : i32
      %get3A_168 = arith.index_cast %add3A_167 : i32 to index
      %get3A_169 = tpu.vector_load %arg5[%get3A_168] {strides = array<i32>} : memref<16384xf32, #tpu.memory_space<vmem>>, vector<16xf32>,
      %get3A_170 = vector.shape_cast %get3A_169 : vector<16xf32> to vector<16xf32>
      %get3A_171 = arith.index_cast %add3A_167 : i32 to index
      %get3A_172 = tpu.vector_load %arg8[%get3A_171] {strides = array<i32>} : memref<16384xf32, #tpu.memory_space<vmem>>, vector<16xf32>,
      %get3A_173 = vector.shape_cast %get3A_172 : vector<16xf32> to vector<16xf32>
      %add3A_174 = arith.addf %get3A_170, %get3A_173 : vector<16xf32>
      %swap3A_175 = arith.index_cast %add3A_167 : i32 to index
      %swap3A_176 = tpu.vector_load %arg5[%swap3A_175] {strides = array<i32>} : memref<16384xf32, #tpu.memory_space<vmem>>, vector<16xf32>,
      %swap3A_177 = vector.shape_cast %swap3A_176 : vector<16xf32> to vector<16xf32>
      %swap3A_178 = vector.shape_cast %add3A_174 : vector<16xf32> to vector<16xf32>
      tpu.vector_store %arg5[%swap3A_175], %swap3A_178 {strides = array<i32>} : memref<16384xf32, #tpu.memory_space<vmem>>, vector<16xf32>,
      %add3A_179 = arith.constant 48 : i32
      %add3A_180 = arith.addi %mul3A_141, %add3A_179 : i32
      %get3A_181 = arith.index_cast %add3A_180 : i32 to index
      %get3A_182 = tpu.vector_load %arg5[%get3A_181] {strides = array<i32>} : memref<16384xf32, #tpu.memory_space<vmem>>, vector<16xf32>,
      %get3A_183 = vector.shape_cast %get3A_182 : vector<16xf32> to vector<16xf32>
      %get3A_184 = arith.index_cast %add3A_180 : i32 to index
      %get3A_185 = tpu.vector_load %arg8[%get3A_184] {strides = array<i32>} : memref<16384xf32, #tpu.memory_space<vmem>>, vector<16xf32>,
      %get3A_186 = vector.shape_cast %get3A_185 : vector<16xf32> to vector<16xf32>
      %add3A_187 = arith.addf %get3A_183, %get3A_186 : vector<16xf32>
      %swap3A_188 = arith.index_cast %add3A_180 : i32 to index
      %swap3A_189 = tpu.vector_load %arg5[%swap3A_188] {strides = array<i32>} : memref<16384xf32, #tpu.memory_space<vmem>>, vector<16xf32>,
      %swap3A_190 = vector.shape_cast %swap3A_189 : vector<16xf32> to vector<16xf32>
      %swap3A_191 = vector.shape_cast %add3A_187 : vector<16xf32> to vector<16xf32>
      tpu.vector_store %arg5[%swap3A_188], %swap3A_191 {strides = array<i32>} : memref<16384xf32, #tpu.memory_space<vmem>>, vector<16xf32>,
      %add3A_192 = arith.constant 64 : i32
      %add3A_193 = arith.addi %mul3A_141, %add3A_192 : i32
      %get3A_194 = arith.index_cast %add3A_193 : i32 to index
      %get3A_195 = tpu.vector_load %arg5[%get3A_194] {strides = array<i32>} : memref<16384xf32, #tpu.memory_space<vmem>>, vector<16xf32>,
      %get3A_196 = vector.shape_cast %get3A_195 : vector<16xf32> to vector<16xf32>
      %get3A_197 = arith.index_cast %add3A_193 : i32 to index
      %get3A_198 = tpu.vector_load %arg8[%get3A_197] {strides = array<i32>} : memref<16384xf32, #tpu.memory_space<vmem>>, vector<16xf32>,
      %get3A_199 = vector.shape_cast %get3A_198 : vector<16xf32> to vector<16xf32>
      %add3A_200 = arith.addf %get3A_196, %get3A_199 : vector<16xf32>
      %swap3A_201 = arith.index_cast %add3A_193 : i32 to index
      %swap3A_202 = tpu.vector_load %arg5[%swap3A_201] {strides = array<i32>} : memref<16384xf32, #tpu.memory_space<vmem>>, vector<16xf32>,
      %swap3A_203 = vector.shape_cast %swap3A_202 : vector<16xf32> to vector<16xf32>
      %swap3A_204 = vector.shape_cast %add3A_200 : vector<16xf32> to vector<16xf32>
      tpu.vector_store %arg5[%swap3A_201], %swap3A_204 {strides = array<i32>} : memref<16384xf32, #tpu.memory_space<vmem>>, vector<16xf32>,
      %add3A_205 = arith.constant 80 : i32
      %add3A_206 = arith.addi %mul3A_141, %add3A_205 : i32
      %get3A_207 = arith.index_cast %add3A_206 : i32 to index
      %get3A_208 = tpu.vector_load %arg5[%get3A_207] {strides = array<i32>} : memref<16384xf32, #tpu.memory_space<vmem>>, vector<16xf32>,
      %get3A_209 = vector.shape_cast %get3A_208 : vector<16xf32> to vector<16xf32>
      %get3A_210 = arith.index_cast %add3A_206 : i32 to index
      %get3A_211 = tpu.vector_load %arg8[%get3A_210] {strides = array<i32>} : memref<16384xf32, #tpu.memory_space<vmem>>, vector<16xf32>,
      %get3A_212 = vector.shape_cast %get3A_211 : vector<16xf32> to vector<16xf32>
      %add3A_213 = arith.addf %get3A_209, %get3A_212 : vector<16xf32>
      %swap3A_214 = arith.index_cast %add3A_206 : i32 to index
      %swap3A_215 = tpu.vector_load %arg5[%swap3A_214] {strides = array<i32>} : memref<16384xf32, #tpu.memory_space<vmem>>, vector<16xf32>,
      %swap3A_216 = vector.shape_cast %swap3A_215 : vector<16xf32> to vector<16xf32>
      %swap3A_217 = vector.shape_cast %add3A_213 : vector<16xf32> to vector<16xf32>
      tpu.vector_store %arg5[%swap3A_214], %swap3A_217 {strides = array<i32>} : memref<16384xf32, #tpu.memory_space<vmem>>, vector<16xf32>,
      %add3A_218 = arith.constant 96 : i32
      %add3A_219 = arith.addi %mul3A_141, %add3A_218 : i32
      %get3A_220 = arith.index_cast %add3A_219 : i32 to index
      %get3A_221 = tpu.vector_load %arg5[%get3A_220] {strides = array<i32>} : memref<16384xf32, #tpu.memory_space<vmem>>, vector<16xf32>,
      %get3A_222 = vector.shape_cast %get3A_221 : vector<16xf32> to vector<16xf32>
      %get3A_223 = arith.index_cast %add3A_219 : i32 to index
      %get3A_224 = tpu.vector_load %arg8[%get3A_223] {strides = array<i32>} : memref<16384xf32, #tpu.memory_space<vmem>>, vector<16xf32>,
      %get3A_225 = vector.shape_cast %get3A_224 : vector<16xf32> to vector<16xf32>
      %add3A_226 = arith.addf %get3A_222, %get3A_225 : vector<16xf32>
      %swap3A_227 = arith.index_cast %add3A_219 : i32 to index
      %swap3A_228 = tpu.vector_load %arg5[%swap3A_227] {strides = array<i32>} : memref<16384xf32, #tpu.memory_space<vmem>>, vector<16xf32>,
      %swap3A_229 = vector.shape_cast %swap3A_228 : vector<16xf32> to vector<16xf32>
      %swap3A_230 = vector.shape_cast %add3A_226 : vector<16xf32> to vector<16xf32>
      tpu.vector_store %arg5[%swap3A_227], %swap3A_230 {strides = array<i32>} : memref<16384xf32, #tpu.memory_space<vmem>>, vector<16xf32>,
      %add3A_231 = arith.constant 112 : i32
      %add3A_232 = arith.addi %mul3A_141, %add3A_231 : i32
      %get3A_233 = arith.index_cast %add3A_232 : i32 to index
      %get3A_234 = tpu.vector_load %arg5[%get3A_233] {strides = array<i32>} : memref<16384xf32, #tpu.memory_space<vmem>>, vector<16xf32>,
      %get3A_235 = vector.shape_cast %get3A_234 : vector<16xf32> to vector<16xf32>
      %get3A_236 = arith.index_cast %add3A_232 : i32 to index
      %get3A_237 = tpu.vector_load %arg8[%get3A_236] {strides = array<i32>} : memref<16384xf32, #tpu.memory_space<vmem>>, vector<16xf32>,
      %get3A_238 = vector.shape_cast %get3A_237 : vector<16xf32> to vector<16xf32>
      %add3A_239 = arith.addf %get3A_235, %get3A_238 : vector<16xf32>
      %swap3A_240 = arith.index_cast %add3A_232 : i32 to index
      %swap3A_241 = tpu.vector_load %arg5[%swap3A_240] {strides = array<i32>} : memref<16384xf32, #tpu.memory_space<vmem>>, vector<16xf32>,
      %swap3A_242 = vector.shape_cast %swap3A_241 : vector<16xf32> to vector<16xf32>
      %swap3A_243 = vector.shape_cast %add3A_239 : vector<16xf32> to vector<16xf32>
      tpu.vector_store %arg5[%swap3A_240], %swap3A_243 {strides = array<i32>} : memref<16384xf32, #tpu.memory_space<vmem>>, vector<16xf32>,
      %scan3A_244 = arith.constant 0 : i32
      scf.yield %scan3A_244 : i32
    }
    %scan3A_113 = arith.constant 128 : i32
    %add3A_114 = arith.constant 1572864 : i32
    %add3A_115 = arith.addi %add3A_114, %mul3A_8 : i32
    %add3A_116 = arith.constant 0 : i32
    %add3A_117 = arith.addi %add3A_115, %add3A_116 : i32
    %dma_start3A_118 = tpu.memref_slice %arg4[%add3A_117] : memref<2097152xf32, #tpu.memory_space<hbm>> -> memref<16384xf32, #tpu.memory_space<hbm>>
    %dma_start3A_119 = tpu.memref_slice %arg4[%add3A_117] : memref<2097152xf32, #tpu.memory_space<hbm>> -> memref<16384xf32, #tpu.memory_space<hbm>>
    tpu.enqueue_dma source(%arg5 : memref<16384xf32, #tpu.memory_space<vmem>>) target(%dma_start3A_119 : memref<16384xf32, #tpu.memory_space<hbm>>) target_semaphore(%arg13 : memref<!tpu.dma_semaphore, #tpu.memory_space<semaphore_mem>>)
    %add3A_120 = arith.constant 524288 : i32
    %add3A_121 = arith.addi %add3A_120, %mul3A_8 : i32
    %add3A_122 = arith.constant 0 : i32
    %add3A_123 = arith.addi %add3A_121, %add3A_122 : i32
    %dma_wait3A_124 = tpu.memref_slice %arg4[%add3A_123] : memref<2097152xf32, #tpu.memory_space<hbm>> -> memref<16384xf32, #tpu.memory_space<hbm>>
    %dma_wait3A_125 = tpu.memref_slice %arg4[%add3A_123] : memref<2097152xf32, #tpu.memory_space<hbm>> -> memref<16384xf32, #tpu.memory_space<hbm>>
    tpu.wait_dma2 semaphore(%arg14 : memref<!tpu.dma_semaphore, #tpu.memory_space<semaphore_mem>>) src(%arg6 : memref<16384xf32, #tpu.memory_space<vmem>>) dst(%dma_wait3A_125 : memref<16384xf32, #tpu.memory_space<hbm>>)
    %add3A_126 = arith.constant 1048576 : i32
    %add3A_127 = arith.addi %add3A_126, %mul3A_8 : i32
    %add3A_128 = arith.constant 0 : i32
    %add3A_129 = arith.addi %add3A_127, %add3A_128 : i32
    %dma_wait3A_130 = tpu.memref_slice %arg4[%add3A_129] : memref<2097152xf32, #tpu.memory_space<hbm>> -> memref<16384xf32, #tpu.memory_space<hbm>>
    %dma_wait3A_131 = tpu.memref_slice %arg4[%add3A_129] : memref<2097152xf32, #tpu.memory_space<hbm>> -> memref<16384xf32, #tpu.memory_space<hbm>>
    tpu.wait_dma2 semaphore(%arg15 : memref<!tpu.dma_semaphore, #tpu.memory_space<semaphore_mem>>) src(%arg7 : memref<16384xf32, #tpu.memory_space<vmem>>) dst(%dma_wait3A_131 : memref<16384xf32, #tpu.memory_space<hbm>>)
    %add3A_132 = arith.constant 1572864 : i32
    %add3A_133 = arith.addi %add3A_132, %mul3A_8 : i32
    %add3A_134 = arith.constant 0 : i32
    %add3A_135 = arith.addi %add3A_133, %add3A_134 : i32
    %dma_wait3A_136 = tpu.memref_slice %arg4[%add3A_135] : memref<2097152xf32, #tpu.memory_space<hbm>> -> memref<16384xf32, #tpu.memory_space<hbm>>
    %dma_wait3A_137 = tpu.memref_slice %arg4[%add3A_135] : memref<2097152xf32, #tpu.memory_space<hbm>> -> memref<16384xf32, #tpu.memory_space<hbm>>
    tpu.wait_dma2 semaphore(%arg13 : memref<!tpu.dma_semaphore, #tpu.memory_space<semaphore_mem>>) src(%arg5 : memref<16384xf32, #tpu.memory_space<vmem>>) dst(%dma_wait3A_137 : memref<16384xf32, #tpu.memory_space<hbm>>)
    return
  }
}

module attributes {stable_mosaic.version = 14 : i64} {
  func.func @_tc_add(%arg0: i32, %arg1: i32, %arg2: memref<1x512x1024xf32, #tpu.memory_space<vmem>>, %arg3: memref<512x1024xf32, #tpu.memory_space<vmem>>, %arg4: memref<1x512x1024xf32, #tpu.memory_space<vmem>>) attributes {dimension_semantics = [#tpu.dimension_semantics<arbitrary>, #tpu.dimension_semantics<arbitrary>], iteration_bounds = array<i64: 7, 4>, scalar_prefetch = 0 : i64, scratch_operands = 0 : i64, tpu.core_type = #tpu.core_type<tc>, window_params = [{transform_indices = @transform_0, window_bounds = array<i64: 1, 512, 1024>}, {transform_indices = @transform_1, window_bounds = array<i64: 512, 1024>}, {transform_indices = @transform_2, window_bounds = array<i64: 1, 512, 1024>}]} {
    %get3A = arith.constant 0 : index
    %get3A_0 = arith.constant 0 : index
    %get3A_1 = arith.constant 0 : index
    %get3A_2 = vector.load %arg2[%get3A, %get3A_0, %get3A_1] : memref<1x512x1024xf32, #tpu.memory_space<vmem>>, vector<1x512x1024xf32>
    %get3A_3 = arith.constant 0 : index
    %get3A_4 = arith.constant 0 : index
    %get3A_5 = vector.load %arg3[%get3A_3, %get3A_4] : memref<512x1024xf32, #tpu.memory_space<vmem>>, vector<512x1024xf32>
    %broadcast_in_dim3A = vector.shape_cast %get3A_5 : vector<512x1024xf32> to vector<1x512x1024xf32>
    %add3A = arith.addf %get3A_2, %broadcast_in_dim3A : vector<1x512x1024xf32>
    %swap3A = arith.constant 0 : index
    %swap3A_6 = arith.constant 0 : index
    %swap3A_7 = arith.constant 0 : index
    %swap3A_8 = vector.load %arg4[%swap3A, %swap3A_6, %swap3A_7] : memref<1x512x1024xf32, #tpu.memory_space<vmem>>, vector<1x512x1024xf32>
    tpu.vector_store %arg4[%swap3A, %swap3A_6, %swap3A_7], %add3A {strides = array<i32>} : memref<1x512x1024xf32, #tpu.memory_space<vmem>>, vector<1x512x1024xf32>,
    return
  }
  func.func @transform_0(%arg0: i32, %arg1: i32) -> (i32, i32, i32) {
    %c0_i32 = arith.constant 0 : i32
    %c0_i32_0 = arith.constant 0 : i32
    return %arg1, %arg0, %c0_i32 : i32, i32, i32
  }
  func.func @transform_1(%arg0: i32, %arg1: i32) -> (i32, i32) {
    %c0_i32 = arith.constant 0 : i32
    %c0_i32_0 = arith.constant 0 : i32
    return %arg0, %c0_i32 : i32, i32
  }
  func.func @transform_2(%arg0: i32, %arg1: i32) -> (i32, i32, i32) {
    %c0_i32 = arith.constant 0 : i32
    %c0_i32_0 = arith.constant 0 : i32
    return %arg1, %arg0, %c0_i32 : i32, i32, i32
  }
}

</mosaic_0001>

<sc_bundles>
// kernel: kernel.4.cloned.1.call-start
scs
__scs_entry_jumppad:
0x0: {  	(pc) =	sbr.rel $0x88, $3  }
0x1: {  	(tag) =	ssettag $0x0;
	lr =	simm.s32 $0x1  }
0x2: {  	[smem:$0x3F9F] =	sst lr;
	_ =	strace $0xD0000000  }
0x3: {  	_ = 	snop  }
0x4: {  	_ = 	snop  }
0x5: {  	_ = 	snop  }
0x6: {  	_ = 	snop  }
0x7: {  	_ = 	snop  }
__scs_overlays_trampoline_lowered:
0x8: {  	[smem:$0x3FAE] =	sst s0  }
0x9: {  	[smem:$0x3FAF] =	sst s1  }
0xa: {  	[smem:$0x3FB0] =	sst s2  }
0xb: {  	[smem:$0x3FB1] =	sst s3  }
0xc: {  	[smem:$0x3FB2] =	sst s4  }
0xd: {  	[smem:$0x3FB3] =	sst s5  }
0xe: {  	[smem:$0x3FB4] =	sst s6  }
0xf: {  	[smem:$0x3FB5] =	sst s7  }
0x10: {  	[smem:$0x3FB6] =	sst s8  }
0x11: {  	[smem:$0x3FB7] =	sst s9;
	s0 =	simm.s32 @!p0 $0x0  }
0x12: {  	s1 =	sld [smem:$0x3F9D];
	s0 =	simm.s32 @p0 $0x1  }
0x13: {  	[smem:$0x3FB8] =	sst s0;
	s0 =	simm.s32 @!p1 $0x0  }
0x14: {  	s2 =	sld [smem:$0x3F9C];
	s0 =	simm.s32 @p1 $0x1  }
0x15: {  	[smem:$0x3FB9] =	sst s0;
	s0 =	simm.s32 @!p2 $0x0  }
0x16: {  	s3 =	sld [smem:$0x3FDB];
	s0 =	simm.s32 @p2 $0x1  }
0x17: {  	s4 =	simm.s32 $0x1BF5;
	[smem:$0x3FBB] =	sst s0  }
0x18: {  	s0 =	sld [smem:$0x3F9E];
	_ =	swait.ge [sflag:s4], $0x0  }
0x19: {  	s7 =	sld [smem:$0x3F9F]  }
0x1a: {  	s8 =	sadd.s32 $0xFFFFE003, lr  }
0x1b: {  	s9 =	sadd.s32 $0xFFFFFEF7, lr;
	s5 =	simm.s32 $0xFFFFFFFF;
	p2 =	slt.u32 s8, $0xFFFFF086  }
0x1c: {  	p1 =	slt.u32 s9, $0xF7A;
	s5 =	simm.s32 @!p2 $0x0  }
0x1d: {  	s5 =	simm.s32 @p1 $0x1;
	p0 =	seq.s32 s7, s2  }
0x1e: {  	s7 =	smul.u32 @!p0 $0xF7A, s2;
	p2 =	seq.s32 @!p0 s5, $0x0  }
0x1f: {  	s9 =	smul.u32 $0xF7A, s1;
	s8 =	simm.s32 @!p0 $0x1BF5;
	p2 =	por !p2, p0  }
0x20: {  	[sflag:s8] =	ssyncset.s32 @!p0 $0xFFFFF086;
	s6 =	sadd.s32 @!p0 s3, s7;
	s7 =	simm.s32 @!p0 $0x108  }
0x21: {  	s3 =	sadd.s32 s3, s9;
	s6 =	sadd.s32 @!p0 $0x88, s6;
	s7 =	simm.s32 @p2 $0x1082  }
0x22: {  	[simem:s7], [sflag:s8] =	dma.local @!p0 [hbm:s6], $0xF7A  }
0x23: {  	s9 =	sor.u32 $0xD0000000, s2;
	s6 =	simm.s32 $0x108;
	_ =	swait.ge @!p0 [sflag:s8], $0x0  }
0x24: {  	s3 =	sadd.s32 $0x88, s3;
	s6 =	simm.s32 @!p1 $0x1082;
	[sflag:s4] =	ssyncset.s32 $0xFFFFF086  }
0x25: {  	[simem:s6], [sflag:s4] =	dma.local [hbm:s3], $0xF7A  }
0x26: {  	[smem:$0x3F9F] =	sst s1;
	(tag) =	ssettag s2;
	_ =	strace s9  }
0x27: {  	s1 =	sld [smem:$0x3FAF]  }
0x28: {  	s2 =	sld [smem:$0x3FB0]  }
0x29: {  	s4 =	sld [smem:$0x3FB2]  }
0x2a: {  	p0 =	seq.s32 s5, $0x0;
	s5 =	sld [smem:$0x3FB3]  }
0x2b: {  	s6 =	sld [smem:$0x3FB4]  }
0x2c: {  	s7 =	sld [smem:$0x3FB5]  }
0x2d: {  	s3 =	simm.s32 $0x108;
	s8 =	sld [smem:$0x3FB6]  }
0x2e: {  	s3 =	simm.s32 @!p0 $0x1082;
	s9 =	sld [smem:$0x3FB7]  }
0x2f: {  	lr =	sadd.s32 s0, s3;
	s0 =	sld [smem:$0x3FAE]  }
0x30: {  	s3 =	sld [smem:$0x3FB1]  }
0x31: {  	[smem:$0x3FBA] =	sst s10  }
0x32: {  	s10 =	sld [smem:$0x3FB8];
	_ =	sdelay $0x3  }
0x33: {  	p0 =	seq.s32 s10, $0x1;
	s10 =	sld [smem:$0x3FBA];
	_ =	sdelay $0x3  }
0x34: {  	[smem:$0x3FBA] =	sst s10  }
0x35: {  	s10 =	sld [smem:$0x3FB9];
	_ =	sdelay $0x3  }
0x36: {  	p1 =	seq.s32 s10, $0x1;
	s10 =	sld [smem:$0x3FBA];
	_ =	sdelay $0x3  }
0x37: {  	[smem:$0x3FBA] =	sst s10  }
0x38: {  	s10 =	sld [smem:$0x3FBB]  }
0x39: {  	_ = 	snop;
	(pc) =	sbr.ind lr, $3  }
0x3a: {  	_ = 	snop  }
0x3b: {  	_ = 	snop  }
0x3c: {  	p2 =	seq.s32 s10, $0x1;
	s10 =	sld [smem:$0x3FBA]  }
0x3d: {  	_ =	shalt  }
0x3e: {  	_ =	shalt  }
0x3f: {  	_ =	shalt  }
0x40: {  	_ =	shalt  }
0x41: {  	_ =	shalt  }
0x42: {  	_ =	shalt  }
0x43: {  	_ =	shalt  }
0x44: {  	_ =	shalt  }
0x45: {  	_ =	shalt  }
0x46: {  	_ =	shalt  }
0x47: {  	_ =	shalt  }
0x48: {  	_ =	shalt  }
0x49: {  	_ =	shalt  }
0x4a: {  	_ =	shalt  }
0x4b: {  	_ =	shalt  }
0x4c: {  	_ =	shalt  }
0x4d: {  	_ =	shalt  }
0x4e: {  	_ =	shalt  }
0x4f: {  	_ =	shalt  }
0x50: {  	_ =	shalt  }
0x51: {  	_ =	shalt  }
0x52: {  	_ =	shalt  }
0x53: {  	_ =	shalt  }
0x54: {  	_ =	shalt  }
0x55: {  	_ =	shalt  }
0x56: {  	_ =	shalt  }
0x57: {  	_ =	shalt  }
0x58: {  	_ =	shalt  }
0x59: {  	_ =	shalt  }
0x5a: {  	_ =	shalt  }
0x5b: {  	_ =	shalt  }
0x5c: {  	_ =	shalt  }
0x5d: {  	_ =	shalt  }
0x5e: {  	_ =	shalt  }
0x5f: {  	_ =	shalt  }
0x60: {  	_ =	shalt  }
0x61: {  	_ =	shalt  }
0x62: {  	_ =	shalt  }
0x63: {  	_ =	shalt  }
0x64: {  	_ =	shalt  }
0x65: {  	_ =	shalt  }
0x66: {  	_ =	shalt  }
0x67: {  	_ =	shalt  }
0x68: {  	_ =	shalt  }
0x69: {  	_ =	shalt  }
0x6a: {  	_ =	shalt  }
0x6b: {  	_ =	shalt  }
0x6c: {  	_ =	shalt  }
0x6d: {  	_ =	shalt  }
0x6e: {  	_ =	shalt  }
0x6f: {  	_ =	shalt  }
0x70: {  	_ =	shalt  }
0x71: {  	_ =	shalt  }
0x72: {  	_ =	shalt  }
0x73: {  	_ =	shalt  }
0x74: {  	_ =	shalt  }
0x75: {  	_ =	shalt  }
0x76: {  	_ =	shalt  }
0x77: {  	_ =	shalt  }
0x78: {  	_ =	shalt  }
0x79: {  	_ =	shalt  }
0x7a: {  	_ =	shalt  }
0x7b: {  	_ =	shalt  }
0x7c: {  	_ =	shalt  }
0x7d: {  	_ =	shalt  }
0x7e: {  	_ =	shalt  }
0x7f: {  	_ =	shalt  }
0x80: {  	_ =	shalt  }
0x81: {  	_ =	shalt  }
0x82: {  	_ =	shalt  }
0x83: {  	_ =	shalt  }
0x84: {  	_ =	shalt  }
0x85: {  	_ =	shalt  }
0x86: {  	_ =	shalt  }
0x87: {  	_ =	shalt  }
.Lfunc_end0:
.L_simem_size_0:
called_computation.1_lowered:
.L_overlay_start_0:
0x88: {  	s2 =	sld [smem:$0x3FD9]  }
0x89: {  	s3 =	sld [smem:$0x3FFE];
	_ =	sdelay $0x1  }
0x8a: {  	s1 =	srdreg.scid  }
0x8b: {  	s0 =	sand.u32 $0x1, s1  }
0x8c: {  	s16 =	sshll.u32 s0, $0xA;
	s2 =	sadd.s32 s3, s2  }
0x8d: {  	s2 =	sadd.s32 s2, s16  }
0x8e: {  	[smem:$0x3FC6] =	sst s2  }
0x8f: {  	_ = 	snop  }
0x90: {  	(tm) =	ssettm $0x1  }
0x91: {  	s17 =	sld [smem:$0x3FFB];
	_ =	sdelay $0x3  }
0x92: {  	_ =	strace s17  }
0x93: {  	s2 =	sld [smem:$0x3FFC];
	_ =	sdelay $0x3  }
0x94: {  	_ =	strace s2  }
0x95: {  	s2 =	sld [smem:$0x3FFD];
	_ =	sdelay $0x3  }
0x96: {  	_ =	strace s2  }
0x97: {  	_ =	strace $0x8FFFFFFF  }
0x98: {  	s18 =	sld [smem:$0x3FDB];
	_ =	sdelay $0x1  }
0x99: {  	s19 =	simm.s32 $_scs_section_size  }
0x9a: {  	s4 =	simm.s32 $_size__tile_overlayer_lowered;
	s5 =	simm.s32 $_tile_overlayer_lowered  }
0x9b: {  	s22 =	simm.s32 $0x1BFF;
	s21 =	sshll.u32 s5, $0x1;
	s2 =	sadd.s32 s19, s18  }
0x9c: {  	s6 =	simm.s32 $0x0;
	s20 =	sshll.u32 s4, $0x1;
	s4 =	sadd.s32 s21, s2  }
0x9d: {  	[timem:s6], [sflag:s22] =	dma.local [hbm:s4], s20  }
0x9e: {  	_ =	swait.ge [sflag:s22], s20  }
0x9f: {  	s3 =	ssub.s32 $0x0, s20;
	[sflag:s22] =	ssyncset.done $0x0  }
0xa0: {  	[sflag:s22] =	ssyncadd.s32 s3;
	_ =	sdelay $0x1  }
0xa1: {  	s23 =	simm.s32 $0x1B8B  }
0xa2: {  	_ =	swait.ge [sflag:s23], $0x1  }
0xa3: {  	[sflag:s23] =	ssyncset.done $0x0  }
0xa4: {  	s25 =	simm.s32 $0x1B8E;
	s24 =	sld [smem:$0x3FFE];
	[sflag:s23] =	ssyncadd.s32 $0xFFFFFFFF  }
0xa5: {  	s26 =	simm.s32 $execute0_lowered;
	[smem:$0x3FD2] =	sst s25  }
0xa6: {  	s4 =	sshll.u32 s26, $0x1;
	_ =	strace $0x80000049;
	[dreg:$0x1] =	wrdreg $0xFFFFFFFF  }
0xa7: {  	s28 =	simm.s32 $_size_execute0_lowered;
	s2 =	sadd.s32 s2, s4;
	[dreg:$0x0] =	wrdreg $0x0  }
0xa8: {  	s4 =	sshll.u32 s28, $0x1;
	[dreg:$0x2] =	wrdreg s2  }
0xa9: {  	[dreg:$0x3] =	wrdreg s4  }
0xaa: {  	[dreg:$0x4] =	wrdreg $0xC0  }
0xab: {  	_ =	task [dreg:s6], $0x5FFFF  }
0xac: {  	[dreg:$0x1] =	wrdreg $0xFFFFFFFF  }
0xad: {  	[dreg:$0x0] =	wrdreg $0x60  }
0xae: {  	[dreg:$0x2] =	wrdreg s24  }
0xaf: {  	[dreg:$0x3] =	wrdreg $0x9  }
0xb0: {  	_ =	task.clear_ibuf [dreg:s6], $0x4FFFF;
	_ =	strace $0x90000049  }
0xb1: {  	s29 =	simm.s32 $0x9;
	_ =	strace $0x8000004B  }
0xb2: {  	_ =	swait.ge [sflag:s29], $0x1  }
0xb3: {  	[sflag:s29] =	ssyncadd.s32 $0xFFFFFFFF  }
0xb4: {  	_ =	strace $0x9000004B  }
0xb5: {  	_ =	sfence  }
0xb6: {  	s30 =	sld [smem:$0x0];
	_ =	sdelay $0x2  }
0xb7: {  	s31 =	sshll.u32 s1, $0xD;
	s1 =	sshrl.u32 s1, $0x2  }
0xb8: {  	s3 =	sand.u32 $0x4000, s31;
	s1 =	sadd.s32 s1, s30  }
0xb9: {  	s0 =	sor.u32 s3, s0;
	s1 =	sshll.u32 s1, $0x11  }
0xba: {  	s0 =	sor.u32 s1, s0  }
0xbb: {  	s0 =	sadd.s32 $0x8F2B, s0  }
0xbc: {  	[sflag:s0] =	ssyncadd.remote.s32 $0x1  }
0xbd: {  	_ =	sfence.sel $0xFFFF  }
0xbe: {  	[dreg:$0x0] =	wrdreg $0xFFFFFFFF;
	(pc) =	sbr.abs _section_cstart, $3  }
0xbf: {  	[dreg:$0x1] =	wrdreg $0xFFFFFFFF  }
0xc0: {  	_ =	task.clear_ibuf [dreg:s6], $0x2FFFF;
	_ =	strace $0x9FFFFFFF  }
0xc1: {  	(tm) =	ssettm $0x7FFFFFFF  }
tec
execute0_lowered:
.L_overlay_start_1:
0x0: {  	(tag) =	ssettag $0x1  }
0x1: {  	s3 =	rddreg [dreg:$0x0];
	s2 =	srdreg.scid  }
0x2: {  	s0 =	rddreg [dreg:$0x1];
	s1 =	stileid.u32  }
0x3: {  	s13 =	simm.s32 $0xC000;
	s14 =	simm.s32 $0x4000;
	s15 =	simm.s32 $0x8000  }
0x4: {  	s16 =	simm.s32 $0x1;
	s17 =	simm.s32 $0x7;
	s18 =	simm.s32 $0x4  }
0x5: {  	s19 =	simm.s32 $0x2;
	s20 =	simm.s32 $0x3;
	s21 =	simm.s32 $0x5  }
0x6: {  	s22 =	simm.s32 $0x6;
	s23 =	simm.s32 $0x0;
	s4 =	sand.u32 $0x1, s2  }
0x7: {  	s2 =	simm.s32 $0x0;
	s5 =	sshll.u32 s1, $0xC;
	s9 =	sadd.s32 $0xA00, s3  }
0x8: {  	s6 =	sshll.u32 s4, $0xB;
	[smem:$0x7FF] =	sst s2;
	s4 =	ssub.s32 $0x2, s4  }
0x9: {  	s5 =	sor.u32 s6, s5;
	_ =	strace $0x8000004A;
	s7 =	sshrl.u32 s4, $0x1  }
0xa: {  	s10 =	sor.u32 $0x70000, s5;
	s11 =	sadd.s32 s5, s3;
	s8 =	sadd.s32 s5, s9  }
0xb: {  	s12 =	ssub.s32 s4, s7;
	s31 =	sadd.s32 s10, s3;
	s4 =	sadd.s32 $0xF0000, s8  }
0xc: {  	s5 =	sadd.s32 $0x280A00, s11;
	s6 =	sadd.s32 $0x170000, s8;
	s7 =	sadd.s32 $0x1F0000, s8  }
0xd: {  	s8 =	sadd.s32 $0x290A00, s11;
	s9 =	sadd.s32 s9, s10;
	s10 =	sadd.s32 $0x2A0A00, s11  }
0xe: {  	s11 =	sadd.s32 $0x2B0A00, s11;
	s12 =	smax.u32 s12, $0x1;
	s3 =	sadd.s32 $0x200A00, s31  }
.LBB2_1:
0xf: {  	[tilespmem:s13], [sflag:$0x7] =	stream.linear.gather [hbm4b:s3+s2], $0x4000, $0x38;
	[tilespmem:$0x10000] =	vst v63  }
0x10: {  	_ = 	snop  }
0x11: {  	[tilespmem:s2], [sflag:$0x1] =	stream.linear.gather [hbm4b:s9+s2], $0x4000, $0x38;
	[tilespmem:$0x10000] =	vst v63  }
0x12: {  	_ = 	snop  }
0x13: {  	[tilespmem:s14], [sflag:$0x2] =	stream.linear.gather [hbm4b:s4+s2], $0x4000, $0x38;
	[tilespmem:$0x10000] =	vst v63  }
0x14: {  	_ = 	snop  }
0x15: {  	[tilespmem:s15], [sflag:$0x3] =	stream.linear.gather [hbm4b:s6+s2], $0x4000, $0x38;
	[tilespmem:$0x10000] =	vst v63  }
0x16: {  	_ =	swait.ge [sflag:s16], $0x4000  }
0x17: {  	[sflag:s16] =	ssyncset.done $0x0  }
0x18: {  	[sflag:s16] =	ssyncadd.s32 $0xFFFFC000  }
0x19: {  	_ =	swait.ge [sflag:s17], $0x4000  }
0x1a: {  	[sflag:s17] =	ssyncset.done $0x0  }
0x1b: {  	s24 =	simm.s32 $0x0;
	[sflag:s17] =	ssyncadd.s32 $0xFFFFC000  }
0x1c: {  	v7 =	vld [tilespmem:s24+$0xC000]  }
0x1d: {  	v11 =	vld [tilespmem:s24+$0xC010]  }
0x1e: {  	v5 =	vld [tilespmem:s24+$0xC020]  }
0x1f: {  	v4 =	vld [tilespmem:s24+$0xC030]  }
0x20: {  	v3 =	vld [tilespmem:s24+$0xC040]  }
0x21: {  	v2 =	vld [tilespmem:s24+$0xC050]  }
0x22: {  	v1 =	vld [tilespmem:s24+$0xC060]  }
0x23: {  	v0 =	vld [tilespmem:s24+$0xC070]  }
0x24: {  	v12 =	vld [tilespmem:s24+$0x0]  }
0x25: {  	v13 =	vld [tilespmem:s24+$0x10]  }
0x26: {  	v10 =	vld [tilespmem:s24+$0x20]  }
0x27: {  	v9 =	vld [tilespmem:s24+$0x30]  }
0x28: {  	v8 =	vld [tilespmem:s24+$0x40]  }
0x29: {  	v6 =	vld [tilespmem:s24+$0x50];
	v12 =	vadd.f32 v7, v12  }
0x2a: {  	s25 =	simm.s32 $0x200;
	v11 =	vadd.f32 v11, v13;
	v7 =	vld [tilespmem:s24+$0x60]  }
.LBB2_2:
0x2b: {  	s26 =	sshra.s32 s25, $0x2;
	p0 =	sne.s32 s25, $0xFE00;
	[tilespmem:s24+$0x0] =	vst v12;
	v5 =	vadd.f32 v5, v10;
	v10 =	vld [tilespmem:s24+$0x70]  }
0x2c: {  	v12 =	vld [tilespmem:s26+$0xC000];
	[tilespmem:s24+$0x10] =	vst v11;
	v4 =	vadd.f32 v4, v9  }
0x2d: {  	v11 =	vld [tilespmem:s26+$0xC010];
	[tilespmem:s24+$0x20] =	vst v5;
	v3 =	vadd.f32 v3, v8  }
0x2e: {  	v5 =	vld [tilespmem:s26+$0xC020];
	[tilespmem:s24+$0x30] =	vst v4;
	v2 =	vadd.f32 v2, v6  }
0x2f: {  	v4 =	vld [tilespmem:s26+$0xC030];
	[tilespmem:s24+$0x40] =	vst v3;
	v1 =	vadd.f32 v1, v7  }
0x30: {  	v3 =	vld [tilespmem:s26+$0xC040];
	[tilespmem:s24+$0x50] =	vst v2;
	v0 =	vadd.f32 v0, v10  }
0x31: {  	v2 =	vld [tilespmem:s26+$0xC050];
	[tilespmem:s24+$0x60] =	vst v1  }
0x32: {  	v1 =	vld [tilespmem:s26+$0xC060];
	[tilespmem:s24+$0x70] =	vst v0;
	s24 =	smov.u32 s26  }
0x33: {  	v0 =	vld [tilespmem:s24+$0xC070]  }
0x34: {  	v6 =	vld [tilespmem:s24+$0x0]  }
0x35: {  	v7 =	vld [tilespmem:s24+$0x10]  }
.Ltmp0:
0x36: {  	v10 =	vld [tilespmem:s24+$0x20];
	(pc) =	sbr.rel @p0 .LBB2_2-.Ltmp0, $4  }
0x37: {  	v9 =	vld [tilespmem:s24+$0x30]  }
0x38: {  	v8 =	vld [tilespmem:s24+$0x40]  }
0x39: {  	v12 =	vadd.f32 v12, v6;
	v6 =	vld [tilespmem:s24+$0x50]  }
0x3a: {  	s25 =	sadd.s32 $0x200, s25;
	v11 =	vadd.f32 v11, v7;
	v7 =	vld [tilespmem:s24+$0x60]  }
0x3b: {  	[tilespmem:s24+$0x0] =	vst v12;
	v5 =	vadd.f32 v5, v10;
	v10 =	vld [tilespmem:s24+$0x70]  }
0x3c: {  	[tilespmem:s24+$0x10] =	vst v11;
	v4 =	vadd.f32 v4, v9  }
0x3d: {  	[tilespmem:s24+$0x20] =	vst v5;
	v3 =	vadd.f32 v3, v8  }
0x3e: {  	[tilespmem:s24+$0x30] =	vst v4;
	v2 =	vadd.f32 v2, v6  }
0x3f: {  	[tilespmem:s24+$0x40] =	vst v3;
	v1 =	vadd.f32 v1, v7  }
0x40: {  	[tilespmem:s24+$0x50] =	vst v2;
	v0 =	vadd.f32 v0, v10  }
0x41: {  	[tilespmem:s24+$0x60] =	vst v1  }
0x42: {  	s31 =	simm.s32 $0x0;
	[tilespmem:s24+$0x70] =	vst v0  }
0x43: {  	[hbm4b:s5+s31] =	stream.linear.scatter [tilespmem:s31], [sflag:$0x4], $0x4000, $0x38;
	[tilespmem:$0x10000] =	vst v63  }
0x44: {  	_ =	swait.ge [sflag:s18], $0x4000  }
0x45: {  	[sflag:s18] =	ssyncset.done $0x0  }
0x46: {  	[sflag:s18] =	ssyncadd.s32 $0xFFFFC000  }
0x47: {  	[tilespmem:s31], [sflag:$0x1] =	stream.linear.gather [hbm4b:s7+s31], $0x4000, $0x38;
	[tilespmem:$0x10000] =	vst v63  }
0x48: {  	_ =	swait.ge [sflag:s19], $0x4000  }
0x49: {  	[sflag:s19] =	ssyncset.done $0x0  }
0x4a: {  	s24 =	simm.s32 $0x0;
	[sflag:s19] =	ssyncadd.s32 $0xFFFFC000  }
0x4b: {  	v7 =	vld [tilespmem:s24+$0xC000]  }
0x4c: {  	v11 =	vld [tilespmem:s24+$0xC010]  }
0x4d: {  	v5 =	vld [tilespmem:s24+$0xC020]  }
0x4e: {  	v4 =	vld [tilespmem:s24+$0xC030]  }
0x4f: {  	v3 =	vld [tilespmem:s24+$0xC040]  }
0x50: {  	v2 =	vld [tilespmem:s24+$0xC050]  }
0x51: {  	v1 =	vld [tilespmem:s24+$0xC060]  }
0x52: {  	v0 =	vld [tilespmem:s24+$0xC070]  }
0x53: {  	v12 =	vld [tilespmem:s24+$0x4000]  }
0x54: {  	v13 =	vld [tilespmem:s24+$0x4010]  }
0x55: {  	v10 =	vld [tilespmem:s24+$0x4020]  }
0x56: {  	v9 =	vld [tilespmem:s24+$0x4030]  }
0x57: {  	v8 =	vld [tilespmem:s24+$0x4040]  }
0x58: {  	v6 =	vld [tilespmem:s24+$0x4050];
	v12 =	vadd.f32 v7, v12  }
0x59: {  	s25 =	simm.s32 $0x200;
	v11 =	vadd.f32 v11, v13;
	v7 =	vld [tilespmem:s24+$0x4060]  }
.LBB2_4:
0x5a: {  	s26 =	sshra.s32 s25, $0x2;
	p0 =	sne.s32 s25, $0xFE00;
	[tilespmem:s24+$0x4000] =	vst v12;
	v5 =	vadd.f32 v5, v10;
	v10 =	vld [tilespmem:s24+$0x4070]  }
0x5b: {  	v12 =	vld [tilespmem:s26+$0xC000];
	[tilespmem:s24+$0x4010] =	vst v11;
	v4 =	vadd.f32 v4, v9  }
0x5c: {  	v11 =	vld [tilespmem:s26+$0xC010];
	[tilespmem:s24+$0x4020] =	vst v5;
	v3 =	vadd.f32 v3, v8  }
0x5d: {  	v5 =	vld [tilespmem:s26+$0xC020];
	[tilespmem:s24+$0x4030] =	vst v4;
	v2 =	vadd.f32 v2, v6  }
0x5e: {  	v4 =	vld [tilespmem:s26+$0xC030];
	[tilespmem:s24+$0x4040] =	vst v3;
	v1 =	vadd.f32 v1, v7  }
0x5f: {  	v3 =	vld [tilespmem:s26+$0xC040];
	[tilespmem:s24+$0x4050] =	vst v2;
	v0 =	vadd.f32 v0, v10  }
0x60: {  	v2 =	vld [tilespmem:s26+$0xC050];
	[tilespmem:s24+$0x4060] =	vst v1  }
0x61: {  	v1 =	vld [tilespmem:s26+$0xC060];
	[tilespmem:s24+$0x4070] =	vst v0;
	s24 =	smov.u32 s26  }
0x62: {  	v0 =	vld [tilespmem:s24+$0xC070]  }
0x63: {  	v6 =	vld [tilespmem:s24+$0x4000]  }
0x64: {  	v7 =	vld [tilespmem:s24+$0x4010]  }
.Ltmp1:
0x65: {  	v10 =	vld [tilespmem:s24+$0x4020];
	(pc) =	sbr.rel @p0 .LBB2_4-.Ltmp1, $4  }
0x66: {  	v9 =	vld [tilespmem:s24+$0x4030]  }
0x67: {  	v8 =	vld [tilespmem:s24+$0x4040]  }
0x68: {  	v12 =	vadd.f32 v12, v6;
	v6 =	vld [tilespmem:s24+$0x4050]  }
0x69: {  	s25 =	sadd.s32 $0x200, s25;
	v11 =	vadd.f32 v11, v7;
	v7 =	vld [tilespmem:s24+$0x4060]  }
0x6a: {  	[tilespmem:s24+$0x4000] =	vst v12;
	v5 =	vadd.f32 v5, v10;
	v10 =	vld [tilespmem:s24+$0x4070]  }
0x6b: {  	[tilespmem:s24+$0x4010] =	vst v11;
	v4 =	vadd.f32 v4, v9  }
0x6c: {  	[tilespmem:s24+$0x4020] =	vst v5;
	v3 =	vadd.f32 v3, v8  }
0x6d: {  	[tilespmem:s24+$0x4030] =	vst v4;
	v2 =	vadd.f32 v2, v6  }
0x6e: {  	[tilespmem:s24+$0x4040] =	vst v3;
	v1 =	vadd.f32 v1, v7  }
0x6f: {  	[tilespmem:s24+$0x4050] =	vst v2;
	v0 =	vadd.f32 v0, v10  }
0x70: {  	[tilespmem:s24+$0x4060] =	vst v1  }
0x71: {  	s31 =	simm.s32 $0x0;
	[tilespmem:s24+$0x4070] =	vst v0  }
0x72: {  	[hbm4b:s8+s31] =	stream.linear.scatter [tilespmem:s14], [sflag:$0x5], $0x4000, $0x38;
	[tilespmem:$0x10000] =	vst v63  }
0x73: {  	_ =	swait.ge [sflag:s20], $0x4000  }
0x74: {  	[sflag:s20] =	ssyncset.done $0x0  }
0x75: {  	s24 =	simm.s32 $0x0;
	[sflag:s20] =	ssyncadd.s32 $0xFFFFC000  }
0x76: {  	v7 =	vld [tilespmem:s24+$0xC000]  }
0x77: {  	v11 =	vld [tilespmem:s24+$0xC010]  }
0x78: {  	v5 =	vld [tilespmem:s24+$0xC020]  }
0x79: {  	v4 =	vld [tilespmem:s24+$0xC030]  }
0x7a: {  	v3 =	vld [tilespmem:s24+$0xC040]  }
0x7b: {  	v2 =	vld [tilespmem:s24+$0xC050]  }
0x7c: {  	v1 =	vld [tilespmem:s24+$0xC060]  }
0x7d: {  	v0 =	vld [tilespmem:s24+$0xC070]  }
0x7e: {  	v12 =	vld [tilespmem:s24+$0x8000]  }
0x7f: {  	v13 =	vld [tilespmem:s24+$0x8010]  }
0x80: {  	v10 =	vld [tilespmem:s24+$0x8020]  }
0x81: {  	v9 =	vld [tilespmem:s24+$0x8030]  }
0x82: {  	v8 =	vld [tilespmem:s24+$0x8040]  }
0x83: {  	v6 =	vld [tilespmem:s24+$0x8050];
	v12 =	vadd.f32 v7, v12  }
0x84: {  	s25 =	simm.s32 $0x200;
	v11 =	vadd.f32 v11, v13;
	v7 =	vld [tilespmem:s24+$0x8060]  }
.LBB2_6:
0x85: {  	s26 =	sshra.s32 s25, $0x2;
	p0 =	sne.s32 s25, $0xFE00;
	[tilespmem:s24+$0x8000] =	vst v12;
	v5 =	vadd.f32 v5, v10;
	v10 =	vld [tilespmem:s24+$0x8070]  }
0x86: {  	v12 =	vld [tilespmem:s26+$0xC000];
	[tilespmem:s24+$0x8010] =	vst v11;
	v4 =	vadd.f32 v4, v9  }
0x87: {  	v11 =	vld [tilespmem:s26+$0xC010];
	[tilespmem:s24+$0x8020] =	vst v5;
	v3 =	vadd.f32 v3, v8  }
0x88: {  	v5 =	vld [tilespmem:s26+$0xC020];
	[tilespmem:s24+$0x8030] =	vst v4;
	v2 =	vadd.f32 v2, v6  }
0x89: {  	v4 =	vld [tilespmem:s26+$0xC030];
	[tilespmem:s24+$0x8040] =	vst v3;
	v1 =	vadd.f32 v1, v7  }
0x8a: {  	v3 =	vld [tilespmem:s26+$0xC040];
	[tilespmem:s24+$0x8050] =	vst v2;
	v0 =	vadd.f32 v0, v10  }
0x8b: {  	v2 =	vld [tilespmem:s26+$0xC050];
	[tilespmem:s24+$0x8060] =	vst v1  }
0x8c: {  	v1 =	vld [tilespmem:s26+$0xC060];
	[tilespmem:s24+$0x8070] =	vst v0;
	s24 =	smov.u32 s26  }
0x8d: {  	v0 =	vld [tilespmem:s24+$0xC070]  }
0x8e: {  	v6 =	vld [tilespmem:s24+$0x8000]  }
0x8f: {  	v7 =	vld [tilespmem:s24+$0x8010]  }
.Ltmp2:
0x90: {  	v10 =	vld [tilespmem:s24+$0x8020];
	(pc) =	sbr.rel @p0 .LBB2_6-.Ltmp2, $4  }
0x91: {  	v9 =	vld [tilespmem:s24+$0x8030]  }
0x92: {  	v8 =	vld [tilespmem:s24+$0x8040]  }
0x93: {  	v12 =	vadd.f32 v12, v6;
	v6 =	vld [tilespmem:s24+$0x8050]  }
0x94: {  	s25 =	sadd.s32 $0x200, s25;
	v11 =	vadd.f32 v11, v7;
	v7 =	vld [tilespmem:s24+$0x8060]  }
0x95: {  	[tilespmem:s24+$0x8000] =	vst v12;
	v5 =	vadd.f32 v5, v10;
	v10 =	vld [tilespmem:s24+$0x8070]  }
0x96: {  	[tilespmem:s24+$0x8010] =	vst v11;
	v4 =	vadd.f32 v4, v9  }
0x97: {  	[tilespmem:s24+$0x8020] =	vst v5;
	v3 =	vadd.f32 v3, v8  }
0x98: {  	[tilespmem:s24+$0x8030] =	vst v4;
	v2 =	vadd.f32 v2, v6  }
0x99: {  	[tilespmem:s24+$0x8040] =	vst v3;
	v1 =	vadd.f32 v1, v7  }
0x9a: {  	[tilespmem:s24+$0x8050] =	vst v2;
	v0 =	vadd.f32 v0, v10  }
0x9b: {  	[tilespmem:s24+$0x8060] =	vst v1  }
0x9c: {  	s31 =	simm.s32 $0x0;
	[tilespmem:s24+$0x8070] =	vst v0  }
0x9d: {  	[hbm4b:s10+s31] =	stream.linear.scatter [tilespmem:s15], [sflag:$0x6], $0x4000, $0x38;
	[tilespmem:$0x10000] =	vst v63  }
0x9e: {  	_ =	swait.ge [sflag:s16], $0x4000  }
0x9f: {  	[sflag:s16] =	ssyncset.done $0x0  }
0xa0: {  	s24 =	simm.s32 $0x0;
	[sflag:s16] =	ssyncadd.s32 $0xFFFFC000  }
0xa1: {  	v7 =	vld [tilespmem:s24+$0xC000]  }
0xa2: {  	v11 =	vld [tilespmem:s24+$0xC010]  }
0xa3: {  	v5 =	vld [tilespmem:s24+$0xC020]  }
0xa4: {  	v4 =	vld [tilespmem:s24+$0xC030]  }
0xa5: {  	v3 =	vld [tilespmem:s24+$0xC040]  }
0xa6: {  	v2 =	vld [tilespmem:s24+$0xC050]  }
0xa7: {  	v1 =	vld [tilespmem:s24+$0xC060]  }
0xa8: {  	v0 =	vld [tilespmem:s24+$0xC070]  }
0xa9: {  	v12 =	vld [tilespmem:s24+$0x0]  }
0xaa: {  	v13 =	vld [tilespmem:s24+$0x10]  }
0xab: {  	v10 =	vld [tilespmem:s24+$0x20]  }
0xac: {  	v9 =	vld [tilespmem:s24+$0x30]  }
0xad: {  	v8 =	vld [tilespmem:s24+$0x40]  }
0xae: {  	v6 =	vld [tilespmem:s24+$0x50];
	v12 =	vadd.f32 v7, v12  }
0xaf: {  	s25 =	simm.s32 $0x200;
	v11 =	vadd.f32 v11, v13;
	v7 =	vld [tilespmem:s24+$0x60]  }
.LBB2_8:
0xb0: {  	s26 =	sshra.s32 s25, $0x2;
	p0 =	sne.s32 s25, $0xFE00;
	[tilespmem:s24+$0x0] =	vst v12;
	v5 =	vadd.f32 v5, v10;
	v10 =	vld [tilespmem:s24+$0x70]  }
0xb1: {  	v12 =	vld [tilespmem:s26+$0xC000];
	[tilespmem:s24+$0x10] =	vst v11;
	v4 =	vadd.f32 v4, v9  }
0xb2: {  	v11 =	vld [tilespmem:s26+$0xC010];
	[tilespmem:s24+$0x20] =	vst v5;
	v3 =	vadd.f32 v3, v8  }
0xb3: {  	v5 =	vld [tilespmem:s26+$0xC020];
	[tilespmem:s24+$0x30] =	vst v4;
	v2 =	vadd.f32 v2, v6  }
0xb4: {  	v4 =	vld [tilespmem:s26+$0xC030];
	[tilespmem:s24+$0x40] =	vst v3;
	v1 =	vadd.f32 v1, v7  }
0xb5: {  	v3 =	vld [tilespmem:s26+$0xC040];
	[tilespmem:s24+$0x50] =	vst v2;
	v0 =	vadd.f32 v0, v10  }
0xb6: {  	v2 =	vld [tilespmem:s26+$0xC050];
	[tilespmem:s24+$0x60] =	vst v1  }
0xb7: {  	v1 =	vld [tilespmem:s26+$0xC060];
	[tilespmem:s24+$0x70] =	vst v0;
	s24 =	smov.u32 s26  }
0xb8: {  	v0 =	vld [tilespmem:s24+$0xC070]  }
0xb9: {  	v6 =	vld [tilespmem:s24+$0x0]  }
0xba: {  	v7 =	vld [tilespmem:s24+$0x10]  }
.Ltmp3:
0xbb: {  	v10 =	vld [tilespmem:s24+$0x20];
	(pc) =	sbr.rel @p0 .LBB2_8-.Ltmp3, $4  }
0xbc: {  	v9 =	vld [tilespmem:s24+$0x30]  }
0xbd: {  	v8 =	vld [tilespmem:s24+$0x40]  }
0xbe: {  	v12 =	vadd.f32 v12, v6;
	v6 =	vld [tilespmem:s24+$0x50]  }
0xbf: {  	s25 =	sadd.s32 $0x200, s25;
	v11 =	vadd.f32 v11, v7;
	v7 =	vld [tilespmem:s24+$0x60]  }
0xc0: {  	[tilespmem:s24+$0x0] =	vst v12;
	v5 =	vadd.f32 v5, v10;
	v63 =	vld [tilespmem:s24+$0x70]  }
0xc1: {  	[tilespmem:s24+$0x10] =	vst v11;
	v4 =	vadd.f32 v4, v9  }
0xc2: {  	[tilespmem:s24+$0x20] =	vst v5;
	v3 =	vadd.f32 v3, v8  }
0xc3: {  	[tilespmem:s24+$0x30] =	vst v4;
	v2 =	vadd.f32 v2, v6  }
0xc4: {  	[tilespmem:s24+$0x40] =	vst v3;
	v1 =	vadd.f32 v1, v7  }
0xc5: {  	[tilespmem:s24+$0x50] =	vst v2;
	v0 =	vadd.f32 v0, v63  }
0xc6: {  	[tilespmem:s24+$0x60] =	vst v1  }
0xc7: {  	[tilespmem:s24+$0x70] =	vst v0  }
0xc8: {  	[hbm4b:s11+s2] =	stream.linear.scatter [tilespmem:s2], [sflag:$0x4], $0x4000, $0x38;
	[tilespmem:$0x10000] =	vst v63  }
0xc9: {  	_ =	swait.ge [sflag:s21], $0x4000  }
0xca: {  	[sflag:s21] =	ssyncset.done $0x0  }
0xcb: {  	s23 =	sadd.s32 $0x1, s23;
	[sflag:s21] =	ssyncadd.s32 $0xFFFFC000  }
0xcc: {  	p0 =	sne.s32 s23, s12;
	_ =	swait.ge [sflag:s22], $0x4000  }
.Ltmp4:
0xcd: {  	[sflag:s22] =	ssyncset.done $0x0;
	(pc) =	sbr.rel @p0 .LBB2_1-.Ltmp4, $4  }
0xce: {  	[sflag:s22] =	ssyncadd.s32 $0xFFFFC000  }
0xcf: {  	_ =	swait.ge [sflag:s18], $0x4000  }
0xd0: {  	[sflag:s18] =	ssyncset.done $0x0  }
0xd1: {  	[sflag:s18] =	ssyncadd.s32 $0xFFFFC000  }
0xd2: {  	_ =	sfence.sel $0x180000  }
0xd3: {  	[bflag:$0x0] =	sbarrier.arrive $0xFFFF  }
0xd4: {  	p0 =	sne.s32 s1, $0x0;
	_ =	strace $0x9000004A  }
0xd5: {  	s0 =	sadd.s32 @!p0 $0x100000, s0;
	[bflag:$0x2] =	sbarrier.arrive $0xFFFF  }
0xd6: {  	[sflag:s0] =	ssyncadd.tile.s32 @!p0 $0x1;
	_ =	shalt  }
.Lfunc_end2:
_tile_overlayer_lowered:
.L_overlay_start_2:
0xd7: {  	(tag) =	ssettag $0x2  }
0xd8: {  	s0 =	rddreg [dreg:$0x0];
	s2 =	stileid.u32  }
0xd9: {  	s1 =	rddreg [dreg:$0x1];
	p0 =	sne.s32 s2, $0x0  }
0xda: {  	s3 =	rddreg [dreg:$0x2];
	[bflag:$0x3] =	sbarrier.arrive $0xFFFF;
	s2 =	simm.s32 @!p0 $0x1C08  }
0xdb: {  	[timem:s3], [sflag:s2] =	dma.local @!p0 [hbm:s0], s1  }
0xdc: {  	s0 =	simm.s32 @!p0 $0x8  }
0xdd: {  	_ =	swait.ge @!p0 [sflag:s0], s1  }
0xde: {  	s1 =	ssub.s32 @!p0 $0x0, s1;
	[sflag:s0] =	ssyncset.done @!p0 $0x0  }
0xdf: {  	[sflag:s0] =	ssyncadd.s32 @!p0 s1  }
0xe0: {  	[bflag:$0x3] =	sbarrier.arrive $0xFFFF  }
0xe1: {  	_ =	shalt  }

// kernel: sparse-core-data-format-call.cloned.1.call-start
scs
called_computation_lowered:
.L_overlay_start_0:
0x0: {  	s2 =	sld [smem:$0x3FD9]  }
0x1: {  	s3 =	sld [smem:$0x3FFE];
	_ =	sdelay $0x1  }
0x2: {  	s1 =	srdreg.scid  }
0x3: {  	s0 =	sand.u32 $0x1, s1  }
0x4: {  	s18 =	sshll.u32 s0, $0xA;
	s2 =	sadd.s32 s3, s2  }
0x5: {  	s2 =	sadd.s32 s2, s18  }
0x6: {  	[smem:$0x3FC6] =	sst s2  }
0x7: {  	_ = 	snop  }
0x8: {  	s2 =	sld [smem:$0x3FC9];
	(tm) =	ssettm $0x1  }
0x9: {  	s19 =	sld [smem:$0x3FFB];
	_ =	sdelay $0x3  }
0xa: {  	_ =	strace s19  }
0xb: {  	s3 =	sld [smem:$0x3FFC];
	_ =	sdelay $0x3  }
0xc: {  	_ =	strace s3  }
0xd: {  	s3 =	sld [smem:$0x3FFD];
	_ =	sdelay $0x3  }
0xe: {  	_ =	strace s3  }
0xf: {  	_ =	strace $0x8FFFFFFF  }
0x10: {  	s20 =	sld [smem:$0x3FDB];
	_ =	sdelay $0x1  }
0x11: {  	s4 =	simm.s32 $_scs_section_size  }
0x12: {  	s5 =	simm.s32 $_size__tile_overlayer_lowered;
	s6 =	simm.s32 $_tile_overlayer_lowered  }
0x13: {  	s23 =	simm.s32 $0x1BFF;
	s22 =	sshll.u32 s6, $0x1;
	s3 =	sadd.s32 s4, s20  }
0x14: {  	s7 =	simm.s32 $0x0;
	s21 =	sshll.u32 s5, $0x1;
	s5 =	sadd.s32 s22, s3  }
0x15: {  	[timem:s7], [sflag:s23] =	dma.local [hbm:s5], s21  }
0x16: {  	_ =	swait.ge [sflag:s23], s21  }
0x17: {  	s4 =	ssub.s32 $0x0, s21;
	[sflag:s23] =	ssyncset.done $0x0  }
0x18: {  	[sflag:s23] =	ssyncadd.s32 s4;
	_ =	sdelay $0x1  }
0x19: {  	s24 =	simm.s32 $0x1B8B  }
0x1a: {  	_ =	swait.ge [sflag:s24], $0x1  }
0x1b: {  	[sflag:s24] =	ssyncset.done $0x0  }
0x1c: {  	s26 =	simm.s32 $0x1B8E;
	s25 =	sld [smem:$0x3FFE];
	[sflag:s24] =	ssyncadd.s32 $0xFFFFFFFF  }
0x1d: {  	s27 =	simm.s32 $execute0_lowered;
	[smem:$0x3FD2] =	sst s26  }
0x1e: {  	s5 =	sshll.u32 s27, $0x1;
	_ =	strace $0x80000046;
	[dreg:$0x1] =	wrdreg $0xFFFFFFFF  }
0x1f: {  	s28 =	simm.s32 $_size_execute0_lowered;
	s3 =	sadd.s32 s3, s5;
	[dreg:$0x0] =	wrdreg $0x0  }
0x20: {  	s5 =	sshll.u32 s28, $0x1;
	[dreg:$0x2] =	wrdreg s3  }
0x21: {  	[dreg:$0x3] =	wrdreg s5  }
0x22: {  	[dreg:$0x4] =	wrdreg $0xC0  }
0x23: {  	_ =	task [dreg:s7], $0x5FFFF  }
0x24: {  	[dreg:$0x1] =	wrdreg $0xFFFFFFFF  }
0x25: {  	[dreg:$0x0] =	wrdreg $0x60  }
0x26: {  	[dreg:$0x2] =	wrdreg s2  }
0x27: {  	[dreg:$0x3] =	wrdreg s25  }
0x28: {  	[dreg:$0x4] =	wrdreg $0x9  }
0x29: {  	_ =	task.clear_ibuf [dreg:s7], $0x5FFFF;
	_ =	strace $0x90000046  }
0x2a: {  	s29 =	simm.s32 $0x9;
	_ =	strace $0x80000048  }
0x2b: {  	_ =	swait.ge [sflag:s29], $0x1  }
0x2c: {  	[sflag:s29] =	ssyncadd.s32 $0xFFFFFFFF  }
0x2d: {  	_ =	strace $0x90000048  }
0x2e: {  	_ =	sfence  }
0x2f: {  	s30 =	sld [smem:$0x0];
	_ =	sdelay $0x2  }
0x30: {  	s31 =	sshll.u32 s1, $0xD;
	s1 =	sshrl.u32 s1, $0x2  }
0x31: {  	s3 =	sand.u32 $0x4000, s31;
	s1 =	sadd.s32 s1, s30  }
0x32: {  	s0 =	sor.u32 s3, s0;
	s1 =	sshll.u32 s1, $0x11  }
0x33: {  	s0 =	sor.u32 s1, s0  }
0x34: {  	s0 =	sadd.s32 $0x8F2B, s0  }
0x35: {  	[sflag:s0] =	ssyncadd.remote.s32 $0x1  }
0x36: {  	_ =	sfence.sel $0xFFFF  }
0x37: {  	[dreg:$0x0] =	wrdreg $0xFFFFFFFF;
	(pc) =	sbr.abs _section_cstart, $3  }
0x38: {  	[dreg:$0x1] =	wrdreg $0xFFFFFFFF  }
0x39: {  	_ =	task.clear_ibuf [dreg:s7], $0x2FFFF;
	_ =	strace $0x9FFFFFFF  }
0x3a: {  	(tm) =	ssettm $0x7FFFFFFF  }
0x3b: {  	_ =	shalt  }
tec
execute0_lowered:
.L_overlay_start_1:
0x0: {  	(tag) =	ssettag $0x1  }
0x1: {  	s0 =	srdreg.scid  }
0x2: {  	s1 =	sshll.u32 s0, $0x4  }
0x3: {  	s2 =	rddreg [dreg:$0x0];
	s0 =	stileid.u32;
	s1 =	sand.u32 $0x10, s1  }
0x4: {  	s4 =	rddreg [dreg:$0x1];
	s7 =	simm.s32 $0x1;
	s1 =	sor.u32 s0, s1  }
0x5: {  	s8 =	simm.s32 $0x2;
	s9 =	simm.s32 $0x0;
	s3 =	sshll.u32 s1, $0x1  }
0x6: {  	s12 =	simm.s32 $0x0;
	s11 =	simm.s32 $0x0;
	s6 =	ssub.s32 $0x800, s3  }
.Ltmp0:
0x7: {  	s4 =	sadd.s32 $0xA00, s4;
	s5 =	sand.u32 $0x3E, s6;
	(pc) =	sbr.rel .LBB1_1-.Ltmp0, $4  }
0x8: {  	s1 =	rddreg [dreg:$0x2];
	_ =	strace $0x80000047;
	p0 =	sne.s32 s5, $0x0  }
0x9: {  	s6 =	sshrl.u32 s6, $0x6;
	s5 =	simm.s32 $0x1;
	s7 =	simm.s32 @!p0 $0x0  }
0xa: {  	s10 =	smov.u32 s3;
	[sflag:s5] =	ssyncpa.u1 $0x0;
	s6 =	sadd.s32 s7, s6  }
0xb: {  	[sflag:s8] =	ssyncpa.u1 $0x0;
	s8 =	simm.s32 $0x0;
	s7 =	sadd.s32 $0x1, s6  }
.LBB1_9:
0xc: {  	s14 =	sadd.s32 $0x40, s10  }
0xd: {  	p1 =	sgt.s32 s14, $0x7FF  }
0xe: {  	s14 =	smov.u32 @p1 s3;
	p1 =	sne.s32 s11, s7  }
.Ltmp1:
0xf: {  	p0 =	slt.u32 s11, $0x2;
	(pc) =	sbr.rel @!p1 .LBB1_10-.Ltmp1, $4  }
0x10: {  	s13 =	simm.s32 @!p0 $0x2  }
0x11: {  	s15 =	sadd.s32 $0x1, s11;
	_ =	swait.ge @!p0 [sflag:s13], $0x4000  }
0x12: {  	s12 =	smov.u32 s10;
	s9 =	sadd.s32 $0x4000, s9;
	[sflag:s13] =	ssyncset.done @!p0 $0x0  }
0x13: {  	s11 =	smov.u32 s15;
	s10 =	smov.u32 s14;
	[sflag:s13] =	ssyncadd.s32 @!p0 $0xFFFFC000  }
.LBB1_1:
0x14: {  	p0 =	sge.u32 s11, s6  }
0x15: {  	s13 =	sxor.u32 @!p0 $0xFFFFFFFF, s11  }
0x16: {  	s31 =	sadd.s32 $0xFFFFFFFF, s11;
	s14 =	sshll.u32 @!p0 s10, $0xA;
	s13 =	sshll.u32 @!p0 s13, $0xE  }
0x17: {  	s15 =	simm.s32 @!p0 $0x0;
	s14 =	sadd.s32 @!p0 s2, s14;
	s13 =	sand.u32 @!p0 $0x4000, s13  }
0x18: {  	[tilespmem:s13], [sflag:$0x1] =	stream.linear.gather @!p0 [hbm4b:s14+s15], $0x4000, $0x38;
	[tilespmem:$0x10000] =	vst v63  }
0x19: {  	p0 =	sge.u32 s31, s6  }
.Ltmp2:
0x1a: {  	_ = 	snop;
	(pc) =	sbr.rel @p0 .LBB1_9-.Ltmp2, $1  }
0x1b: {  	_ =	sdelay $0x3  }
0x1c: {  	s13 =	sshll.u32 s9, $0x2  }
0x1d: {  	_ =	swait.ge [sflag:s5], $0x4000;
	s14 =	sshll.u32 s11, $0xE;
	s16 =	simm.s32 $0x0  }
0x1e: {  	p1 =	por $0x1, $0x1;
	s13 =	sand.u32 $0x10000, s13;
	[sflag:s5] =	ssyncset.done $0x0  }
0x1f: {  	s14 =	sand.u32 $0x4000, s14;
	s15 =	sshrl.u32 s13, $0x2;
	[sflag:s5] =	ssyncadd.s32 $0xFFFFC000  }
0x20: {  	s13 =	sor.u32 $0x8000, s14;
	s14 =	sadd.s32 $0x8040, s15;
	s15 =	sadd.s32 $0x40, s15  }
.LBB1_3:
0x21: {  	s16 =	sshll.u32 s16, $0x2  }
0x22: {  	p0 =	por p1, p1;
	s17 =	sshra.s32 s16, $0x2  }
0x23: {  	s18 =	simm.s32 $0x0;
	s16 =	sadd.s32 s17, s14;
	s17 =	sadd.s32 s17, s15  }
.LBB1_4:
0x24: {  	v0 =	vmov s17;
	_ =	sdelay $0x3  }
0x25: {  	s20 =	simm.s32 $0x0  }
0x26: {  	v6 =	vld.idx.msk [tilespmem:v0+s20+$0x30 ss:$0x1], $0xffff  }
0x27: {  	v7 =	vld.idx.msk [tilespmem:v0+s20+$0xFFFFFFC0 ss:$0x1], $0xffff  }
0x28: {  	v5 =	vld.idx.msk [tilespmem:v0+s20+$0xFFFFFFD0 ss:$0x1], $0xffff  }
0x29: {  	v4 =	vld.idx.msk [tilespmem:v0+s20+$0xFFFFFFE0 ss:$0x1], $0xffff  }
0x2a: {  	v3 =	vld.idx.msk [tilespmem:v0+s20+$0xFFFFFFF0 ss:$0x1], $0xffff  }
0x2b: {  	v1 =	vld.idx.msk [tilespmem:v0+s20+$0x0 ss:$0x1], $0xffff  }
0x2c: {  	v2 =	vld.idx.msk [tilespmem:v0+s20+$0x10 ss:$0x1], $0xffff;
	[tilespmem:s16+$0x30] =	vst v6  }
0x2d: {  	s19 =	simm.s32 $0x80;
	s21 =	simm.s32 $0x400;
	[tilespmem:s16+$0xFFFFFFC0] =	vst v7;
	v6 =	vld.idx.msk [tilespmem:v0+s20+$0x20 ss:$0x1], $0xffff;
	s20 =	smov.u32 s16  }
.LBB1_5:
0x2e: {  	p1 =	sne.s32 s21, $0xE00;
	v7 =	vld.idx.msk [tilespmem:v0+s19+$0x30 ss:$0x1], $0xffff;
	[tilespmem:s20+$0xFFFFFFD0] =	vst v5  }
0x2f: {  	v8 =	vld.idx.msk [tilespmem:v0+s19+$0xFFFFFFC0 ss:$0x1], $0xffff;
	[tilespmem:s20+$0xFFFFFFE0] =	vst v4  }
0x30: {  	v5 =	vld.idx.msk [tilespmem:v0+s19+$0xFFFFFFD0 ss:$0x1], $0xffff;
	[tilespmem:s20+$0xFFFFFFF0] =	vst v3  }
.Ltmp3:
0x31: {  	v4 =	vld.idx.msk [tilespmem:v0+s19+$0xFFFFFFE0 ss:$0x1], $0xffff;
	[tilespmem:s20+$0x0] =	vst v1;
	(pc) =	sbr.rel @p1 .LBB1_5-.Ltmp3, $4  }
0x32: {  	v3 =	vld.idx.msk [tilespmem:v0+s19+$0xFFFFFFF0 ss:$0x1], $0xffff;
	[tilespmem:s20+$0x10] =	vst v2  }
0x33: {  	v1 =	vld.idx.msk [tilespmem:v0+s19+$0x0 ss:$0x1], $0xffff;
	[tilespmem:s20+$0x20] =	vst v6;
	s20 =	sadd.s32 $0x400, s20  }
0x34: {  	v2 =	vld.idx.msk [tilespmem:v0+s19+$0x10 ss:$0x1], $0xffff;
	[tilespmem:s20+$0x30] =	vst v7  }
0x35: {  	[tilespmem:s20+$0xFFFFFFC0] =	vst v8;
	v6 =	vld.idx.msk [tilespmem:v0+s19+$0x20 ss:$0x1], $0xffff;
	s19 =	sshra.s32 s21, $0x2;
	s21 =	sadd.s32 $0x200, s21  }
0x36: {  	_ =	sdelay $0x2  }
0x37: {  	[tilespmem:s20+$0xFFFFFFD0] =	vst v5  }
0x38: {  	v56 =	vld.idx.msk [tilespmem:v0+s19+$0x30 ss:$0x1], $0xffff;
	[tilespmem:s20+$0xFFFFFFE0] =	vst v4  }
0x39: {  	v57 =	vld.idx.msk [tilespmem:v0+s19+$0xFFFFFFC0 ss:$0x1], $0xffff;
	[tilespmem:s20+$0xFFFFFFF0] =	vst v3  }
0x3a: {  	v58 =	vld.idx.msk [tilespmem:v0+s19+$0xFFFFFFD0 ss:$0x1], $0xffff;
	[tilespmem:s20+$0x0] =	vst v1  }
0x3b: {  	v59 =	vld.idx.msk [tilespmem:v0+s19+$0xFFFFFFE0 ss:$0x1], $0xffff;
	[tilespmem:s20+$0x10] =	vst v2  }
0x3c: {  	v60 =	vld.idx.msk [tilespmem:v0+s19+$0xFFFFFFF0 ss:$0x1], $0xffff;
	s31 =	sadd.s32 $0x400, s20;
	[tilespmem:s20+$0x20] =	vst v6  }
0x3d: {  	v61 =	vld.idx.msk [tilespmem:v0+s19+$0x0 ss:$0x1], $0xffff;
	[tilespmem:s31+$0x30] =	vst v56  }
0x3e: {  	v62 =	vld.idx.msk [tilespmem:v0+s19+$0x10 ss:$0x1], $0xffff;
	s18 =	sadd.s32 $0x1, s18;
	[tilespmem:s31+$0xFFFFFFC0] =	vst v57  }
0x3f: {  	v63 =	vld.idx.msk [tilespmem:v0+s19+$0x20 ss:$0x1], $0xffff;
	p1 =	sne.s32 s18, $0x8;
	[tilespmem:s31+$0xFFFFFFD0] =	vst v58  }
.Ltmp4:
0x40: {  	[tilespmem:s31+$0xFFFFFFE0] =	vst v59;
	(pc) =	sbr.rel @p1 .LBB1_4-.Ltmp4, $4  }
0x41: {  	[tilespmem:s31+$0xFFFFFFF0] =	vst v60  }
0x42: {  	[tilespmem:s31+$0x0] =	vst v61  }
0x43: {  	[tilespmem:s31+$0x10] =	vst v62  }
0x44: {  	s16 =	sadd.s32 $0x80, s16;
	s17 =	sadd.s32 $0x400, s17;
	[tilespmem:s31+$0x20] =	vst v63  }
.Ltmp5:
0x45: {  	(pc) =	sbr.rel @p0 .LBB1_3-.Ltmp5, $2  }
0x46: {  	_ =	sdelay $0x2  }
0x47: {  	s16 =	simm.s32 $0x2000;
	p1 =	por $0x0, $0x0  }
.Ltmp6:
0x48: {  	(pc) =	sbr.rel .LBB1_9-.Ltmp6, $4  }
0x49: {  	_ = 	snop  }
0x4a: {  	s12 =	sshll.u32 s12, $0xA  }
0x4b: {  	s12 =	sadd.s32 s4, s12  }
0x4c: {  	[hbm4b:s12+s8] =	stream.linear.scatter [tilespmem:s13], [sflag:$0x2], $0x4000, $0x38;
	[tilespmem:$0x10000] =	vst v63  }
.LBB1_10:
0x4d: {  	_ =	sfence.sel $0x180000  }
0x4e: {  	s2 =	simm.s32 $0x1;
	[bflag:$0x0] =	sbarrier.arrive $0xFFFF  }
0x4f: {  	s31 =	simm.s32 $0x2;
	[sflag:s2] =	ssyncpa.u1 $0x1  }
0x50: {  	[sflag:s31] =	ssyncpa.u1 $0x1  }
0x51: {  	p0 =	sne.s32 s0, $0x0;
	_ =	strace $0x90000047  }
0x52: {  	s0 =	sadd.s32 @!p0 $0x100000, s1;
	[bflag:$0x2] =	sbarrier.arrive $0xFFFF  }
0x53: {  	[sflag:s0] =	ssyncadd.tile.s32 @!p0 $0x1;
	_ =	shalt  }
.Lfunc_end1:
_tile_overlayer_lowered:
.L_overlay_start_2:
0x54: {  	(tag) =	ssettag $0x2  }
0x55: {  	s0 =	rddreg [dreg:$0x0];
	s2 =	stileid.u32  }
0x56: {  	s1 =	rddreg [dreg:$0x1];
	p0 =	sne.s32 s2, $0x0  }
0x57: {  	s3 =	rddreg [dreg:$0x2];
	[bflag:$0x3] =	sbarrier.arrive $0xFFFF;
	s2 =	simm.s32 @!p0 $0x1C01  }
0x58: {  	[timem:s3], [sflag:s2] =	dma.local @!p0 [hbm:s0], s1  }
0x59: {  	s0 =	simm.s32 @!p0 $0x1  }
0x5a: {  	_ =	swait.ge @!p0 [sflag:s0], s1  }
0x5b: {  	s1 =	ssub.s32 @!p0 $0x0, s1;
	[sflag:s0] =	ssyncset.done @!p0 $0x0  }
0x5c: {  	[sflag:s0] =	ssyncadd.s32 @!p0 s1  }
0x5d: {  	[bflag:$0x3] =	sbarrier.arrive $0xFFFF  }
0x5e: {  	_ =	shalt  }

</sc_bundles>
